<compile_context>
chip_gen: v7x
topology: tpu7x:2x2x1
jax: 0.10.2.dev20260603
libtpu: 0.0.44.dev20260713+nightly
codegen_flags: <defaults>
</compile_context>

<pallas_src>
import functools

import jax
import jax.numpy as jnp
from jax import lax
from jax.experimental import pallas as pl
from jax.experimental.pallas import tpu as pltpu
from jax.experimental.pallas import tpu_sc as plsc

_NC, _NS, _L = 2, 16, 16
_NW = _NC * _NS
_BIG = 1 << 30


def _cdiv(a, b):
    return (a + b - 1) // b


def _rup(a, b):
    return _cdiv(a, b) * b




def _conv_math_parts(xs, njs, w, Cs):
    Ctot = sum(Cs)
    f32 = jnp.float32
    y = None
    for p, Cp in enumerate(Cs):
        off = sum(Cs[:p])
        n0, n1, n2, n3 = njs[p]
        mats = (xs[p], jnp.minimum(n0, n1), jnp.maximum(n0, n1),
                jnp.minimum(n2, n3), jnp.maximum(n2, n3))
        for s, m in enumerate(mats):
            t = jnp.dot(m, w[s * Ctot + off:s * Ctot + off + Cp],
                        preferred_element_type=f32)
            y = t if y is None else y + t
    return y


def _conv_fused_body(*refs, E, Cs, score):
    P = len(Cs)
    xs = [refs[p][:E] for p in range(P)]
    njs = [[refs[P + p][j, :E, :] for j in range(4)] for p in range(P)]
    w_ref, g_ref, b_ref = refs[2 * P:2 * P + 3]
    out_refs = refs[2 * P + 3:]
    y = _conv_math_parts(xs, njs, w_ref[...], Cs)
    mu = jnp.mean(y, axis=0, keepdims=True)
    yc = y - mu
    var = jnp.mean(yc * yc, axis=0, keepdims=True)
    e = jnp.maximum(yc * lax.rsqrt(var + 1e-5) * g_ref[...] + b_ref[...], 0.0)
    out_refs[0][...] = e
    if score:
        out_refs[1][...] = jnp.sqrt(jnp.sum(e * e, axis=1, keepdims=True))


@functools.partial(jax.jit, static_argnames=("E", "score", "interpret"))
def _conv_fused(xs, nbrs, w, g, b, *, E, score=False, interpret=False):
    Cs = tuple(x.shape[1] for x in xs)
    F = w.shape[1]
    outs = [jax.ShapeDtypeStruct((E, F), jnp.float32)]
    if score:
        outs.append(jax.ShapeDtypeStruct((E, 1), jnp.float32))
    res = pl.pallas_call(
        functools.partial(_conv_fused_body, E=E, Cs=Cs, score=score),
        out_shape=outs,
        interpret=interpret,
    )(*xs, *nbrs, w, g.reshape(1, F), b.reshape(1, F))
    return res if score else res[0]


def _conv_a_body(*refs, Cs):
    P = len(Cs)
    i = pl.program_id(0)
    xs = [refs[p][...] for p in range(P)]
    njs = [[refs[P + 4 * p + j][0] for j in range(4)] for p in range(P)]
    w_ref = refs[5 * P]
    y_ref, s_ref = refs[5 * P + 1:]
    y = _conv_math_parts(xs, njs, w_ref[...], Cs)
    y_ref[...] = y
    st = jnp.concatenate(
        [jnp.sum(y, axis=0, keepdims=True),
         jnp.sum(y * y, axis=0, keepdims=True)], axis=0)

    @pl.when(i == 0)
    def _():
        s_ref[...] = st

    @pl.when(i > 0)
    def _():
        s_ref[...] += st


@functools.partial(jax.jit, static_argnames=("E", "bs", "interpret"))
def _conv_a(xs, nbrs, w, *, E, bs, interpret=False):
    Cs = tuple(x.shape[1] for x in xs)
    Ctot = sum(Cs)
    F = w.shape[1]
    grid = (E // bs,)
    in_specs = [pl.BlockSpec((bs, C), lambda i: (i, 0)) for C in Cs]
    for p, C in enumerate(Cs):
        for j in range(4):
            in_specs.append(
                pl.BlockSpec((1, bs, C), lambda i, J=j: (J, i, 0)))
    in_specs.append(pl.BlockSpec((5 * Ctot, F), lambda i: (0, 0)))
    nbr_args = []
    for p in range(len(Cs)):
        nbr_args.extend([nbrs[p]] * 4)
    return pl.pallas_call(
        functools.partial(_conv_a_body, Cs=Cs),
        grid=grid,
        in_specs=in_specs,
        out_specs=[
            pl.BlockSpec((bs, F), lambda i: (i, 0)),
            pl.BlockSpec((2, F), lambda i: (0, 0)),
        ],
        out_shape=[
            jax.ShapeDtypeStruct((E, F), jnp.float32),
            jax.ShapeDtypeStruct((2, F), jnp.float32),
        ],
        interpret=interpret,
    )(*xs, *nbr_args, w)


def _bn_b_body(y_ref, s_ref, g_ref, b_ref, e_ref, sc_ref, *, E):
    mu = s_ref[0:1] / E
    var = s_ref[1:2] / E - mu * mu
    yn = (y_ref[...] - mu) * lax.rsqrt(var + 1e-5)
    e = jnp.maximum(yn * g_ref[...] + b_ref[...], 0.0)
    e_ref[...] = e
    sc_ref[...] = jnp.sqrt(jnp.sum(e * e, axis=1, keepdims=True))


@functools.partial(jax.jit, static_argnames=("bs", "interpret"))
def _bn_b(y, s, g, b, *, bs, interpret=False):
    E, F = y.shape
    grid = (E // bs,)
    return pl.pallas_call(
        functools.partial(_bn_b_body, E=E),
        grid=grid,
        in_specs=[
            pl.BlockSpec((bs, F), lambda i: (i, 0)),
            pl.BlockSpec((2, F), lambda i: (0, 0)),
            pl.BlockSpec((1, F), lambda i: (0, 0)),
            pl.BlockSpec((1, F), lambda i: (0, 0)),
        ],
        out_specs=[
            pl.BlockSpec((bs, F), lambda i: (i, 0)),
            pl.BlockSpec((bs, 1), lambda i: (i, 0)),
        ],
        out_shape=[
            jax.ShapeDtypeStruct((E, F), jnp.float32),
            jax.ShapeDtypeStruct((E, 1), jnp.float32),
        ],
        interpret=interpret,
    )(y, s, g.reshape(1, F), b.reshape(1, F))


def _bn_head_body(y_ref, s_ref, g_ref, b_ref, wh_ref, bh_ref, o_ref, *, E):
    mu = s_ref[0:1] / E
    var = s_ref[1:2] / E - mu * mu
    yn = (y_ref[...] - mu) * lax.rsqrt(var + 1e-5)
    e = jnp.maximum(yn * g_ref[...] + b_ref[...], 0.0)
    o_ref[...] = jnp.dot(e, wh_ref[...],
                         preferred_element_type=jnp.float32) + bh_ref[...]


@functools.partial(jax.jit, static_argnames=("bs", "interpret"))
def _bn_head(y, s, g, b, wh, bh, *, bs, interpret=False):
    E, F = y.shape
    O = wh.shape[1]
    grid = (E // bs,)
    return pl.pallas_call(
        functools.partial(_bn_head_body, E=E),
        grid=grid,
        in_specs=[
            pl.BlockSpec((bs, F), lambda i: (i, 0)),
            pl.BlockSpec((2, F), lambda i: (0, 0)),
            pl.BlockSpec((1, F), lambda i: (0, 0)),
            pl.BlockSpec((1, F), lambda i: (0, 0)),
            pl.BlockSpec((F, O), lambda i: (0, 0)),
            pl.BlockSpec((1, O), lambda i: (0, 0)),
        ],
        out_specs=pl.BlockSpec((bs, O), lambda i: (i, 0)),
        out_shape=jax.ShapeDtypeStruct((E, O), jnp.float32),
        interpret=interpret,
    )(y, s, g.reshape(1, F), b.reshape(1, F), wh, bh.reshape(1, O))




def _thr_body(si_ref, o_ref, *, k):
    si = si_ref[...]

    def step(_, lohi):
        lo, hi = lohi
        mid = lo + (hi - lo + 1) // 2
        cnt = jnp.sum((si >= mid).astype(jnp.int32))
        ge = cnt >= k
        return jnp.where(ge, mid, lo), jnp.where(ge, hi, mid - 1)

    lo, _ = lax.fori_loop(0, 31, step, (jnp.int32(0), jnp.int32(0x7F7FFFFF)))
    g = jnp.sum((si > lo).astype(jnp.int32))
    o_ref[...] = jnp.concatenate(
        [lo.reshape(1, 1), (k - g).reshape(1, 1)], axis=1)


@functools.partial(jax.jit, static_argnames=("k", "interpret"))
def _thr(si, *, k, interpret=False):
    return pl.pallas_call(
        functools.partial(_thr_body, k=k),
        out_shape=jax.ShapeDtypeStruct((1, 2), jnp.int32),
        interpret=interpret,
    )(si)




@functools.partial(jax.jit, static_argnames=("interpret",))
def _sc_gather(table, idx, *, interpret=False):
    N, C = table.shape
    Mp = idx.shape[0]
    bpw = Mp // _NW
    row_b = C * 4
    chunk = min(128, bpw, max(8, (420_000 // (2 * row_b)) & ~7))
    chunks = [(c0, min(chunk, bpw - c0)) for c0 in range(0, bpw, chunk)]
    n = len(chunks)
    mesh = plsc.VectorSubcoreMesh(core_axis_name="c", subcore_axis_name="s",
                                  num_cores=_NC, num_subcores=_NS)

    def body(table_hbm, idx_hbm, out_hbm, idx_v, r0, r1, g0, g1, w0, w1):
        wid = lax.axis_index("s") * _NC + lax.axis_index("c")
        base = wid * bpw
        pltpu.sync_copy(idx_hbm.at[pl.ds(base, bpw)], idx_v)
        bufs, gsem, wsem = (r0, r1), (g0, g1), (w0, w1)
        gd = [None, None]
        wd = [None, None]
        for c, (c0, sz) in enumerate(chunks):
            s = c % 2
            if c >= 2:
                wd[s].wait()
            gd[s] = pltpu.async_copy(table_hbm.at[idx_v.at[pl.ds(c0, sz)]],
                                     bufs[s].at[pl.ds(0, sz)], gsem[s])
            if c >= 1:
                p = (c - 1) % 2
                pc0, psz = chunks[c - 1]
                gd[p].wait()
                wd[p] = pltpu.async_copy(bufs[p].at[pl.ds(0, psz)],
                                         out_hbm.at[pl.ds(base + pc0, psz)],
                                         wsem[p])
        s = (n - 1) % 2
        c0, sz = chunks[n - 1]
        gd[s].wait()
        wd[s] = pltpu.async_copy(bufs[s].at[pl.ds(0, sz)],
                                 out_hbm.at[pl.ds(base + c0, sz)], wsem[s])
        if n >= 2:
            wd[(n - 2) % 2].wait()
        wd[s].wait()

    f = pl.kernel(
        body,
        out_type=jax.ShapeDtypeStruct((Mp, C), table.dtype),
        mesh=mesh,
        scratch_types=[
            pltpu.VMEM((bpw,), jnp.int32),
            pltpu.VMEM((chunk, C), table.dtype),
            pltpu.VMEM((chunk, C), table.dtype),
            pltpu.SemaphoreType.DMA,
            pltpu.SemaphoreType.DMA,
            pltpu.SemaphoreType.DMA,
            pltpu.SemaphoreType.DMA,
        ],
        compiler_params=pltpu.CompilerParams(use_tc_tiling_on_sc=False),
        interpret=interpret,
    )
    return f(table, idx)




@functools.partial(jax.jit, static_argnames=("E", "k", "interpret"))
def _sc_pool(scores_pad, thr, nb, *, E, k, interpret=False):
    Ep = scores_pad.shape[0]
    cE = Ep // _NS
    nsteps = cE // _L
    kp = _rup(k, _L)
    mesh = plsc.VectorSubcoreMesh(core_axis_name="c", subcore_axis_name="s",
                                  num_cores=_NC, num_subcores=_NS)

    def body(sc_hbm, thr_hbm, nb_hbm, keep_hbm, nbp_hbm, src_hbm, remap_hbm,
             sv, thrv, pubv, loc, ckeep, chunk_v, tmp_v, keep_v, nbr_v,
             remap_v, shc1, shc2, shk, sem):
        core = lax.axis_index("c")
        s = lax.axis_index("s")

        @pl.when(core == 0)
        def _():
            iota = lax.iota(jnp.int32, _L)
            z16 = jnp.zeros((_L,), jnp.int32)
            pltpu.sync_copy(sc_hbm.at[pl.ds(s * cE, cE)], sv)
            pltpu.sync_copy(thr_hbm, thrv)
            t = thrv[...]
            vk = jnp.sum(jnp.where(iota == 0, t, 0))
            m = jnp.sum(jnp.where(iota == 1, t, 0))

            def cnt(i, acc):
                g, q = acc
                x = sv[pl.ds(i * _L, _L)]
                return (g + (x > vk).astype(jnp.int32),
                        q + (x == vk).astype(jnp.int32))

            gv, qv = lax.fori_loop(0, nsteps, cnt, (z16, z16))
            pubv[...] = jnp.where(iota == 0, jnp.sum(gv),
                                  jnp.where(iota == 1, jnp.sum(qv), 0))
            pltpu.sync_copy(pubv, shc1.at[s])
            plsc.subcore_barrier()

            pltpu.sync_copy(shc1, loc)
            gts = plsc.load_gather(loc, [iota, z16])
            eqs = plsc.load_gather(loc, [iota, z16 + 1])
            ceq_ex = plsc.cumsum(eqs) - eqs
            ties = jnp.maximum(jnp.minimum(eqs, m - ceq_ex), 0)
            keptc = gts + ties
            rank_base = jnp.sum(jnp.where(iota < s, keptc, 0))
            eq_base = jnp.sum(jnp.where(iota < s, eqs, 0))

            def p1(i, carry):
                off, qc, fv, lv = carry
                x = sv[pl.ds(i * _L, _L)]
                gt = x > vk
                eq = x == vk
                eqc = plsc.cumsum(eq.astype(jnp.int32))
                tie_sel = eq & ((eq_base + qc + eqc) <= m)
                kept = gt | tie_sel
                c = plsc.cumsum(kept.astype(jnp.int32))
                lrank = off + c - 1
                ii = iota + (s * cE + i * _L)
                plsc.store_scatter(ckeep, [jnp.where(kept, lrank, cE - 1)],
                                   ii, mask=kept)
                chunk_v[pl.ds(i * _L, _L)] = jnp.where(
                    kept, rank_base + lrank, -1)
                return (off + jnp.sum(kept.astype(jnp.int32)),
                        qc + jnp.sum(eq.astype(jnp.int32)),
                        jnp.minimum(fv, jnp.where(kept, ii, _BIG)),
                        jnp.maximum(lv, jnp.where(kept, ii, -1)))

            nk, _q, fv, lv = lax.fori_loop(
                0, nsteps, p1,
                (jnp.int32(0), jnp.int32(0), z16 + _BIG, z16 - 1))
            pltpu.sync_copy(chunk_v, remap_hbm.at[pl.ds(s * cE, cE)])
            pltpu.sync_copy(ckeep, shk.at[s])
            first = jnp.min(fv)
            last = jnp.max(lv)
            pubv[...] = jnp.where(iota == 0, nk,
                                  jnp.where(iota == 1, first,
                                            jnp.where(iota == 2, last, 0)))
            pltpu.sync_copy(pubv, shc2.at[s])
            plsc.subcore_barrier()

            pltpu.sync_copy(shc2, loc)
            nks = plsc.load_gather(loc, [iota, z16])
            firsts = plsc.load_gather(loc, [iota, z16 + 1])
            lasts = plsc.load_gather(loc, [iota, z16 + 2])
            prev_idx = jnp.max(jnp.where((iota < s) & (nks > 0), lasts, -1))
            next_idx = jnp.min(jnp.where((iota > s) & (nks > 0), firsts,
                                         _BIG))

            @pl.when(s == 0)
            def _():
                keep_v[pl.ds(kp - _L, _L)] = z16
                for t_ in range(_NS):
                    pltpu.sync_copy(shk.at[t_], tmp_v)
                    nk_t = jnp.sum(jnp.where(iota == t_, nks, 0))
                    off_t = jnp.sum(jnp.where(iota < t_, nks, 0))

                    def mv(j, _, nk_t=nk_t, off_t=off_t):
                        lane = iota + j * _L
                        vals = tmp_v[pl.ds(j * _L, _L)]
                        plsc.store_scatter(
                            keep_v,
                            [jnp.where(lane < nk_t, off_t + lane, kp - 1)],
                            vals, mask=lane < nk_t)
                        return 0

                    lax.fori_loop(0, (nk_t + _L - 1) // _L, mv, 0)
                pltpu.sync_copy(keep_v, keep_hbm)
                pltpu.sync_copy(remap_hbm, remap_v)
                for c0 in range(0, kp, 128):
                    szc = min(128, kp - c0)
                    pltpu.async_copy(nb_hbm.at[keep_v.at[pl.ds(c0, szc)]],
                                     nbr_v.at[pl.ds(c0, szc)], sem).wait()

                def p2(j, _):
                    rows = iota + j * _L
                    for c4 in range(4):
                        cc = jnp.full((_L,), c4, jnp.int32)
                        v = plsc.load_gather(nbr_v, [rows, cc])
                        v = jnp.clip(v, 0, E - 1)
                        nkv = plsc.load_gather(remap_v, [v])
                        plsc.store_scatter(nbr_v, [rows, cc],
                                           jnp.where(nkv < 0, rows, nkv))
                    return 0

                lax.fori_loop(0, kp // _L, p2, 0)
                pltpu.sync_copy(nbr_v, nbp_hbm)

            def p3(i, r):
                rm = chunk_v[pl.ds(i * _L, _L)]
                kept = rm >= 0
                rin = r + plsc.cumsum(kept.astype(jnp.int32))
                ka = plsc.load_gather(ckeep, [jnp.clip(rin - 1, 0, cE - 1)])
                kb = plsc.load_gather(ckeep, [jnp.clip(rin, 0, cE - 1)])
                ka = jnp.where(rin - 1 >= 0, ka, prev_idx)
                kb = jnp.where(rin <= nk - 1, kb, next_idx)
                a_rank = rank_base + rin - 1
                b_rank = rank_base + rin
                ii = iota + (s * cE + i * _L)
                da = jnp.where(a_rank >= 0, ii - ka, _BIG)
                db = jnp.where(b_rank <= k - 1, kb - ii, _BIG)
                sv[pl.ds(i * _L, _L)] = jnp.where(
                    da <= db, jnp.clip(a_rank, 0, k - 1),
                    jnp.clip(b_rank, 0, k - 1))
                return r + jnp.sum(kept.astype(jnp.int32))

            lax.fori_loop(0, nsteps, p3, jnp.int32(0))
            pltpu.sync_copy(sv, src_hbm.at[pl.ds(s * cE, cE)])

    f = pl.kernel(
        body,
        out_type=[
            jax.ShapeDtypeStruct((kp,), jnp.int32),
            jax.ShapeDtypeStruct((kp, 16), jnp.int32),
            jax.ShapeDtypeStruct((Ep,), jnp.int32),
            jax.ShapeDtypeStruct((Ep,), jnp.int32),
        ],
        mesh=mesh,
        scratch_types=[
            pltpu.VMEM((cE,), jnp.int32),
            pltpu.VMEM((_L,), jnp.int32),
            pltpu.VMEM((_L,), jnp.int32),
            pltpu.VMEM((_NS, _L), jnp.int32),
            pltpu.VMEM((cE,), jnp.int32),
            pltpu.VMEM((cE,), jnp.int32),
            pltpu.VMEM((cE,), jnp.int32),
            pltpu.VMEM((kp,), jnp.int32),
            pltpu.VMEM((kp, 16), jnp.int32),
            pltpu.VMEM((Ep,), jnp.int32),
            pltpu.VMEM_SHARED((_NS, _L), jnp.int32),
            pltpu.VMEM_SHARED((_NS, _L), jnp.int32),
            pltpu.VMEM_SHARED((_NS, cE), jnp.int32),
            pltpu.SemaphoreType.DMA,
        ],
        compiler_params=pltpu.CompilerParams(use_tc_tiling_on_sc=False,
                                             needs_layout_passes=False),
        interpret=interpret,
    )
    return f(scores_pad, thr, nb)




def _pad_idx(idx):
    M = idx.shape[0]
    Mp = _rup(M, 8 * _NW)
    if Mp == M:
        return idx, M
    return jnp.zeros((Mp,), jnp.int32).at[:M].set(idx), M


def _gather_rows_padded(table, idx):
    idx_p, _ = _pad_idx(idx)
    return _sc_gather(table, idx_p)


@functools.partial(jax.jit, static_argnames=("interpret",))
def _sc_gather4(table, idx, *, interpret=False):
    N, C = table.shape
    Es = idx.shape[1]
    bpw = Es // 8
    row_b = C * 4
    chunk = min(128, bpw, max(8, (420_000 // (2 * row_b)) & ~7))
    chunks = [(c0, min(chunk, bpw - c0)) for c0 in range(0, bpw, chunk)]
    n = len(chunks)
    mesh = plsc.VectorSubcoreMesh(core_axis_name="c", subcore_axis_name="s",
                                  num_cores=_NC, num_subcores=_NS)

    def body(table_hbm, idx_hbm, out_hbm, idx_v, r0, r1, g0, g1, w0, w1):
        wid = lax.axis_index("s") * _NC + lax.axis_index("c")
        j = wid // 8
        base = (wid % 8) * bpw
        pltpu.sync_copy(idx_hbm.at[j, pl.ds(base, bpw)], idx_v)
        bufs, gsem, wsem = (r0, r1), (g0, g1), (w0, w1)
        gd = [None, None]
        wd = [None, None]
        for c, (c0, sz) in enumerate(chunks):
            s = c % 2
            if c >= 2:
                wd[s].wait()
            gd[s] = pltpu.async_copy(table_hbm.at[idx_v.at[pl.ds(c0, sz)]],
                                     bufs[s].at[pl.ds(0, sz)], gsem[s])
            if c >= 1:
                p = (c - 1) % 2
                pc0, psz = chunks[c - 1]
                gd[p].wait()
                wd[p] = pltpu.async_copy(
                    bufs[p].at[pl.ds(0, psz)],
                    out_hbm.at[j, pl.ds(base + pc0, psz)], wsem[p])
        s = (n - 1) % 2
        c0, sz = chunks[n - 1]
        gd[s].wait()
        wd[s] = pltpu.async_copy(bufs[s].at[pl.ds(0, sz)],
                                 out_hbm.at[j, pl.ds(base + c0, sz)], wsem[s])
        if n >= 2:
            wd[(n - 2) % 2].wait()
        wd[s].wait()

    f = pl.kernel(
        body,
        out_type=jax.ShapeDtypeStruct((4, Es, C), table.dtype),
        mesh=mesh,
        scratch_types=[
            pltpu.VMEM((bpw,), jnp.int32),
            pltpu.VMEM((chunk, C), table.dtype),
            pltpu.VMEM((chunk, C), table.dtype),
            pltpu.SemaphoreType.DMA,
            pltpu.SemaphoreType.DMA,
            pltpu.SemaphoreType.DMA,
            pltpu.SemaphoreType.DMA,
        ],
        compiler_params=pltpu.CompilerParams(use_tc_tiling_on_sc=False),
        interpret=interpret,
    )
    return f(table, idx)


def _gather_nbr(table, nbc):
    E = nbc.shape[0]
    Es = _rup(E, 64)
    if Es == E:
        idx = nbc.T
    else:
        idx = jnp.zeros((4, Es), jnp.int32).at[:, :E].set(nbc.T)
    return _sc_gather4(table, idx)


def _score_bits(score, E):
    R = _rup(E, 1024) // 128
    si = lax.bitcast_convert_type(score.reshape(E), jnp.int32)
    return jnp.full((R * 128,), -1, jnp.int32).at[:E].set(si).reshape(R, 128)


def _pool_level(e, score, nb, k):
    E = e.shape[0]
    si = _score_bits(score, E)
    thr = _thr(si, k=k)
    thr16 = jnp.zeros((16,), jnp.int32).at[:2].set(thr.reshape(2))
    Ep = _rup(E, 256)
    sp = jnp.full((Ep,), -1, jnp.int32).at[:E].set(si.reshape(-1)[:E])
    nb16 = jnp.zeros((E, 16), jnp.int32).at[:, :4].set(nb)
    keep, nbp, src, _remap = _sc_pool(sp, thr16, nb16, E=E, k=k)
    e_pool = _gather_rows_padded(e, keep[:k])
    return keep[:k], nbp[:k, :4], src[:E], e_pool


def kernel(x, nb, W1, g1, b1, W2, g2, b2, W3, g3, b3, W4, g4, b4,
           W5, g5, b5, W6, g6, b6, W7, g7, b7, Wh, bh):
    E = x.shape[0]
    nbc = nb

    xp = jnp.zeros((E, 16), jnp.float32).at[:, :5].set(x)
    W1p = jnp.zeros((80, 64), jnp.float32).at[
        jnp.arange(25) + (jnp.arange(25) // 5) * 11].set(W1)
    nbr1 = _gather_nbr(xp, nbc)
    y1, s1 = _conv_a([xp], [nbr1], W1p, E=E, bs=2000)
    e1, sc1 = _bn_b(y1, s1, g1, b1, bs=2000)
    k1, nb1, src1, e1p = _pool_level(e1, sc1, nbc, 1500)

    nbr2 = _gather_nbr(e1p, nb1)
    e2, sc2 = _conv_fused([e1p], [nbr2], W2, g2, b2, E=1500, score=True)
    k2, nb2, src2, e2p = _pool_level(e2, sc2, nb1, 750)

    nbr3 = _gather_nbr(e2p, nb2)
    e3, sc3 = _conv_fused([e2p], [nbr3], W3, g3, b3, E=750, score=True)
    k3, nb3, src3, e3p = _pool_level(e3, sc3, nb2, 375)

    nbr4 = _gather_nbr(e3p, nb3)
    e4 = _conv_fused([e3p], [nbr4], W4, g4, b4, E=375)

    d3 = _gather_rows_padded(e4, src3)
    nbr5d = _gather_nbr(d3, nb2)
    nbr5e = _gather_nbr(e3, nb2)
    d3c = _conv_fused([d3, e3], [nbr5d, nbr5e], W5, g5, b5, E=750)

    d2 = _gather_rows_padded(d3c, src2)
    nbr6d = _gather_nbr(d2, nb1)
    nbr6e = _gather_nbr(e2, nb1)
    d2c = _conv_fused([d2, e2], [nbr6d, nbr6e], W6, g6, b6, E=1500)

    d1 = _gather_rows_padded(d2c, src1)
    nbr7d = _gather_nbr(d1, nbc)
    nbr7e = _gather_nbr(e1, nbc)
    y7, s7 = _conv_a([d1, e1], [nbr7d, nbr7e], W7, E=E, bs=2000)
    return _bn_head(y7, s7, g7, b7, Wh, bh, bs=2000)

# --- scband reference (transcript-rebuilt; emitter-appended) ---
"""Pipeline reference for scband-geo-conv-net3-dmesh-seg-8323646619910 (READ-ONLY COPY).

The authoritative reference and input builder live on the scoring server;
editing this copy changes nothing except your own understanding.
"""

import jax, jax.numpy as jnp
import numpy as np


def mesh_conv(x, nb, W, gamma, beta):
    E, C = x.shape
    idx = jnp.clip(nb, 0, E - 1).reshape(-1)
    n = x[idx].reshape(E, 4, C)
    p1 = jnp.sort(n[:, :2, :], axis=1)
    p2 = jnp.sort(n[:, 2:, :], axis=1)
    feat = jnp.concatenate([x, p1[:, 0], p1[:, 1], p2[:, 0], p2[:, 1]], axis=1)
    y = feat @ W
    mu = jnp.mean(y, axis=0)
    var = jnp.var(y, axis=0)
    yn = (y - mu) / jnp.sqrt(var + 1e-5)
    return jax.nn.relu(yn * gamma + beta)


def mesh_pool(x, nb, target):
    E = x.shape[0]
    scores = jnp.linalg.norm(x, axis=1)
    keep = jnp.sort(jnp.argsort(-scores)[:target])
    x_pool = x[keep]
    remap = jnp.full((E,), -1, dtype=jnp.int32).at[keep].set(jnp.arange(target, dtype=jnp.int32))
    nbk = remap[jnp.clip(nb[keep], 0, E - 1)]
    self_idx = jnp.broadcast_to(jnp.arange(target, dtype=jnp.int32)[:, None], nbk.shape)
    nb_pool = jnp.where(nbk < 0, self_idx, nbk)
    return x_pool, nb_pool, keep


def mesh_unpool(x_coarse, keep_idx, E_fine):
    Ec, C = x_coarse.shape
    x_fine = jnp.zeros((E_fine, C), dtype=x_coarse.dtype).at[keep_idx].set(x_coarse)
    n_missing = E_fine - Ec
    if n_missing > 0:
        mask = jnp.ones((E_fine,), dtype=bool).at[keep_idx].set(False)
        missing = jnp.nonzero(mask, size=n_missing)[0]
        dist = jnp.abs(keep_idx[None, :].astype(jnp.float32) - missing[:, None].astype(jnp.float32))
        nn_idx = jnp.argmin(dist, axis=1)
        x_fine = x_fine.at[missing].set(x_coarse[nn_idx])
    return x_fine


def _forward(x, nb, params):
    (W1, g1, b1, W2, g2, b2, W3, g3, b3, W4, g4, b4, W5, g5, b5, W6, g6, b6, W7, g7, b7, Wh, bh) = params
    e1 = mesh_conv(x, nb, W1, g1, b1)
    e1p, nb1, k1 = mesh_pool(e1, nb, 1500)
    e2 = mesh_conv(e1p, nb1, W2, g2, b2)
    e2p, nb2, k2 = mesh_pool(e2, nb1, 750)
    e3 = mesh_conv(e2p, nb2, W3, g3, b3)
    e3p, nb3, k3 = mesh_pool(e3, nb2, 375)
    e4 = mesh_conv(e3p, nb3, W4, g4, b4)
    d3 = mesh_unpool(e4, k3, e3.shape[0])
    d3 = mesh_conv(jnp.concatenate([d3, e3], axis=1), nb2, W5, g5, b5)
    d2 = mesh_unpool(d3, k2, e2.shape[0])
    d2 = mesh_conv(jnp.concatenate([d2, e2], axis=1), nb1, W6, g6, b6)
    d1 = mesh_unpool(d2, k1, e1.shape[0])
    d1 = mesh_conv(jnp.concatenate([d1, e1], axis=1), nb, W7, g7, b7)
    return d1 @ Wh + bh


def setup_inputs(seed: int = 0):
    key = jax.random.key(seed)
    E = 20000
    in_ch = 5
    num_classes = 4
    x = jax.random.normal(jax.random.fold_in(key, 0), (E, in_ch), dtype=jnp.float32)
    nb = jax.random.randint(jax.random.fold_in(key, 1), (E, 4), 0, E, dtype=jnp.int32)
    inp = {'x': x, 'nb': nb}
    dims = [(5 * 5, 64), (64 * 5, 128), (128 * 5, 256), (256 * 5, 512), (768 * 5, 256), (384 * 5, 128), (192 * 5, 64)]
    for i, (fi, fo) in enumerate(dims):
        inp['W%d' % (i + 1)] = jax.random.normal(jax.random.fold_in(key, 10 + i), (fi, fo), dtype=jnp.float32) / np.sqrt(fi).astype(np.float32)
        inp['g%d' % (i + 1)] = jnp.ones((fo,), dtype=jnp.float32)
        inp['b%d' % (i + 1)] = jnp.zeros((fo,), dtype=jnp.float32)
    inp['Wh'] = jax.random.normal(jax.random.fold_in(key, 30), (64, num_classes), dtype=jnp.float32) / 8.0
    inp['bh'] = jnp.zeros((num_classes,), dtype=jnp.float32)
    return inp


def reference(x, nb, W1, g1, b1, W2, g2, b2, W3, g3, b3, W4, g4, b4, W5, g5, b5, W6, g6, b6, W7, g7, b7, Wh, bh):
    return _forward(x, nb, (W1, g1, b1, W2, g2, b2, W3, g3, b3, W4, g4, b4, W5, g5, b5, W6, g6, b6, W7, g7, b7, Wh, bh))

if __name__ == "__main__":
    import jax
    _d = setup_inputs()
    print(jax.jit(kernel)(*tuple(_d.values())))

</pallas_src>

<mosaic_0001>
#map = affine_map<(d0, d1) -> (0, 0)>
#map1 = affine_map<(d0, d1) -> (0, 0, 0)>
module attributes {stable_mosaic.version = 14 : i64} {
  func.func @body(%arg0: i32, %arg1: i32, %arg2: memref<20000x16xf32, #tpu.memory_space<hbm>>, %arg3: memref<4x20032xi32, #tpu.memory_space<hbm>>, %arg4: memref<4x20032x16xf32, #tpu.memory_space<hbm>>, %arg5: memref<2504xi32, #tpu.memory_space<vmem>>, %arg6: memref<128x16xf32, #tpu.memory_space<vmem>>, %arg7: memref<128x16xf32, #tpu.memory_space<vmem>>, %arg8: memref<!tpu.dma_semaphore, #tpu.memory_space<semaphore_mem>>, %arg9: memref<!tpu.dma_semaphore, #tpu.memory_space<semaphore_mem>>, %arg10: memref<!tpu.dma_semaphore, #tpu.memory_space<semaphore_mem>>, %arg11: memref<!tpu.dma_semaphore, #tpu.memory_space<semaphore_mem>>) attributes {dimension_semantics = [#tpu.dimension_semantics<core_parallel>, #tpu.dimension_semantics<subcore_parallel>], iteration_bounds = array<i64: 2, 16>, scalar_prefetch = 0 : i64, scratch_operands = 7 : i64, tpu.core_type = #tpu.core_type<sc_vector_subcore>, window_params = [{transform_indices = #map}, {transform_indices = #map}, {transform_indices = #map1}]} {
    %mul3A = arith.constant 2 : i32
    %mul3A_0 = arith.muli %arg1, %mul3A : i32
    %add3A = arith.addi %mul3A_0, %arg0 : i32
    %jit3A = arith.constant 8 : i32
    %div3A = arith.divsi %add3A, %jit3A : i32
    %sign3A = arith.constant 0 : i32
    %sign3A_1 = arith.cmpi sgt, %add3A, %sign3A : i32
    %sign3A_2 = arith.extui %sign3A_1 : i1 to i32
    %sign3A_3 = arith.constant 0 : i32
    %sign3A_4 = arith.cmpi slt, %add3A, %sign3A_3 : i32
    %sign3A_5 = arith.extui %sign3A_4 : i1 to i32
    %sign3A_6 = arith.subi %sign3A_2, %sign3A_5 : i32
    %sign3A_7 = arith.constant 0 : i32
    %sign3A_8 = arith.cmpi sgt, %jit3A, %sign3A_7 : i32
    %sign3A_9 = arith.extui %sign3A_8 : i1 to i32
    %sign3A_10 = arith.constant 0 : i32
    %sign3A_11 = arith.cmpi slt, %jit3A, %sign3A_10 : i32
    %sign3A_12 = arith.extui %sign3A_11 : i1 to i32
    %sign3A_13 = arith.subi %sign3A_9, %sign3A_12 : i32
    %ne3A = arith.cmpi ne, %sign3A_6, %sign3A_13 : i32
    %rem3A = arith.remsi %add3A, %jit3A : i32
    %ne3A_14 = arith.constant 0 : i32
    %ne3A_15 = arith.cmpi ne, %rem3A, %ne3A_14 : i32
    %and3A = arith.andi %ne3A, %ne3A_15 : i1
    %sub3A = arith.constant 1 : i32
    %sub3A_16 = arith.subi %div3A, %sub3A : i32
    %select_n3A = arith.select %and3A, %sub3A_16, %div3A : i32
    %jit3A_17 = arith.constant 8 : i32
    %eq3A = arith.constant 0 : i32
    %eq3A_18 = arith.cmpi eq, %jit3A_17, %eq3A : i32
    %jit3A_19 = arith.constant 1 : i32
    %select_n3A_20 = arith.select %eq3A_18, %jit3A_19, %jit3A_17 : i32
    %rem3A_21 = arith.remsi %add3A, %select_n3A_20 : i32
    %ne3A_22 = arith.constant 0 : i32
    %ne3A_23 = arith.cmpi ne, %rem3A_21, %ne3A_22 : i32
    %lt3A = arith.constant 0 : i32
    %lt3A_24 = arith.cmpi slt, %rem3A_21, %lt3A : i32
    %lt3A_25 = arith.constant 0 : i32
    %lt3A_26 = arith.cmpi slt, %select_n3A_20, %lt3A_25 : i32
    %ne3A_27 = arith.xori %lt3A_24, %lt3A_26 : i1
    %and3A_28 = arith.andi %ne3A_27, %ne3A_23 : i1
    %add3A_29 = arith.addi %rem3A_21, %select_n3A_20 : i32
    %select_n3A_30 = arith.select %and3A_28, %add3A_29, %rem3A_21 : i32
    %mul3A_31 = arith.constant 2504 : i32
    %mul3A_32 = arith.muli %select_n3A_30, %mul3A_31 : i32
    "tpu.region"() ({
      %run_scoped3A = tpu.sem_alloc : memref<!tpu.dma_semaphore, #tpu.memory_space<semaphore_mem>>
      %dma_start3A_871 = tpu.memref_slice %arg3[%select_n3A, %mul3A_32] : memref<4x20032xi32, #tpu.memory_space<hbm>> -> memref<1x2504xi32, #tpu.memory_space<hbm>>
      %dma_start3A_872 = tpu.memref_squeeze %dma_start3A_871 : memref<1x2504xi32, #tpu.memory_space<hbm>> -> memref<2504xi32, #tpu.memory_space<hbm>>
      %dma_start3A_873 = tpu.memref_slice %arg3[%select_n3A, %mul3A_32] : memref<4x20032xi32, #tpu.memory_space<hbm>> -> memref<1x2504xi32, #tpu.memory_space<hbm>>
      %dma_start3A_874 = tpu.memref_squeeze %dma_start3A_873 : memref<1x2504xi32, #tpu.memory_space<hbm>> -> memref<2504xi32, #tpu.memory_space<hbm>>
      tpu.enqueue_dma source(%dma_start3A_874 : memref<2504xi32, #tpu.memory_space<hbm>>) target(%arg5 : memref<2504xi32, #tpu.memory_space<vmem>>) target_semaphore(%run_scoped3A : memref<!tpu.dma_semaphore, #tpu.memory_space<semaphore_mem>>)
      %dma_wait3A_875 = tpu.memref_slice %arg3[%select_n3A, %mul3A_32] : memref<4x20032xi32, #tpu.memory_space<hbm>> -> memref<1x2504xi32, #tpu.memory_space<hbm>>
      %dma_wait3A_876 = tpu.memref_squeeze %dma_wait3A_875 : memref<1x2504xi32, #tpu.memory_space<hbm>> -> memref<2504xi32, #tpu.memory_space<hbm>>
      %dma_wait3A_877 = tpu.memref_slice %arg3[%select_n3A, %mul3A_32] : memref<4x20032xi32, #tpu.memory_space<hbm>> -> memref<1x2504xi32, #tpu.memory_space<hbm>>
      %dma_wait3A_878 = tpu.memref_squeeze %dma_wait3A_877 : memref<1x2504xi32, #tpu.memory_space<hbm>> -> memref<2504xi32, #tpu.memory_space<hbm>>
      tpu.wait_dma2 semaphore(%run_scoped3A : memref<!tpu.dma_semaphore, #tpu.memory_space<semaphore_mem>>) src(%dma_wait3A_878 : memref<2504xi32, #tpu.memory_space<hbm>>) dst(%arg5 : memref<2504xi32, #tpu.memory_space<vmem>>)
      tpu.yield
    }) : () -> ()
    %dma_start3A = arith.constant 0 : i32
    %dma_start3A_33 = arith.constant 0 : i32
    %dma_start3A_34 = tpu.memref_slice %arg6[%dma_start3A, %dma_start3A_33] : memref<128x16xf32, #tpu.memory_space<vmem>> -> memref<128x16xf32, #tpu.memory_space<vmem>>
    %dma_start3A_35 = arith.constant 0 : i32
    %dma_start3A_36 = tpu.memref_slice %arg5[%dma_start3A_35] : memref<2504xi32, #tpu.memory_space<vmem>> -> memref<128xi32, #tpu.memory_space<vmem>>
    %dma_start3A_37 = arith.constant 0 : i32
    %dma_start3A_38 = arith.constant 0 : i32
    %dma_start3A_39 = tpu.memref_slice %arg2[%dma_start3A_37, %dma_start3A_38] : memref<20000x16xf32, #tpu.memory_space<hbm>> -> memref<20000x16xf32, #tpu.memory_space<hbm>>
    tpu.enqueue_indirect_dma source(%dma_start3A_39 : memref<20000x16xf32, #tpu.memory_space<hbm>>) target(%dma_start3A_34 : memref<128x16xf32, #tpu.memory_space<vmem>>) offsets(%dma_start3A_36 : memref<128xi32, #tpu.memory_space<vmem>>) semaphore(%arg8 : memref<!tpu.dma_semaphore, #tpu.memory_space<semaphore_mem>>)
    %dma_start3A_40 = arith.constant 0 : i32
    %dma_start3A_41 = arith.constant 0 : i32
    %dma_start3A_42 = tpu.memref_slice %arg7[%dma_start3A_40, %dma_start3A_41] : memref<128x16xf32, #tpu.memory_space<vmem>> -> memref<128x16xf32, #tpu.memory_space<vmem>>
    %dma_start3A_43 = arith.constant 128 : i32
    %dma_start3A_44 = tpu.memref_slice %arg5[%dma_start3A_43] : memref<2504xi32, #tpu.memory_space<vmem>> -> memref<128xi32, #tpu.memory_space<vmem>>
    %dma_start3A_45 = arith.constant 0 : i32
    %dma_start3A_46 = arith.constant 0 : i32
    %dma_start3A_47 = tpu.memref_slice %arg2[%dma_start3A_45, %dma_start3A_46] : memref<20000x16xf32, #tpu.memory_space<hbm>> -> memref<20000x16xf32, #tpu.memory_space<hbm>>
    tpu.enqueue_indirect_dma source(%dma_start3A_47 : memref<20000x16xf32, #tpu.memory_space<hbm>>) target(%dma_start3A_42 : memref<128x16xf32, #tpu.memory_space<vmem>>) offsets(%dma_start3A_44 : memref<128xi32, #tpu.memory_space<vmem>>) semaphore(%arg9 : memref<!tpu.dma_semaphore, #tpu.memory_space<semaphore_mem>>)
    %dma_wait3A = arith.constant 0 : i32
    %dma_wait3A_48 = arith.constant 0 : i32
    %dma_wait3A_49 = tpu.memref_slice %arg6[%dma_wait3A, %dma_wait3A_48] : memref<128x16xf32, #tpu.memory_space<vmem>> -> memref<128x16xf32, #tpu.memory_space<vmem>>
    %dma_wait3A_50 = arith.constant 0 : i32
    %dma_wait3A_51 = tpu.memref_slice %arg5[%dma_wait3A_50] : memref<2504xi32, #tpu.memory_space<vmem>> -> memref<128xi32, #tpu.memory_space<vmem>>
    %dma_wait3A_52 = arith.constant 0 : i32
    %dma_wait3A_53 = arith.constant 0 : i32
    %dma_wait3A_54 = tpu.memref_slice %arg2[%dma_wait3A_52, %dma_wait3A_53] : memref<20000x16xf32, #tpu.memory_space<hbm>> -> memref<20000x16xf32, #tpu.memory_space<hbm>>
    tpu.wait_indirect_dma semaphore(%arg8 : memref<!tpu.dma_semaphore, #tpu.memory_space<semaphore_mem>>) src(%dma_wait3A_54 : memref<20000x16xf32, #tpu.memory_space<hbm>>) dst(%dma_wait3A_49 : memref<128x16xf32, #tpu.memory_space<vmem>>)
    %add3A_55 = arith.constant 0 : i32
    %add3A_56 = arith.addi %mul3A_32, %add3A_55 : i32
    %dma_start3A_57 = arith.constant 0 : i32
    %dma_start3A_58 = arith.constant 0 : i32
    %dma_start3A_59 = tpu.memref_slice %arg6[%dma_start3A_57, %dma_start3A_58] : memref<128x16xf32, #tpu.memory_space<vmem>> -> memref<128x16xf32, #tpu.memory_space<vmem>>
    %dma_start3A_60 = arith.constant 0 : i32
    %dma_start3A_61 = tpu.memref_slice %arg4[%select_n3A, %add3A_56, %dma_start3A_60] : memref<4x20032x16xf32, #tpu.memory_space<hbm>> -> memref<1x128x16xf32, #tpu.memory_space<hbm>>
    %dma_start3A_62 = tpu.memref_squeeze %dma_start3A_61 : memref<1x128x16xf32, #tpu.memory_space<hbm>> -> memref<128x16xf32, #tpu.memory_space<hbm>>
    %dma_start3A_63 = arith.constant 0 : i32
    %dma_start3A_64 = tpu.memref_slice %arg4[%select_n3A, %add3A_56, %dma_start3A_63] : memref<4x20032x16xf32, #tpu.memory_space<hbm>> -> memref<1x128x16xf32, #tpu.memory_space<hbm>>
    %dma_start3A_65 = tpu.memref_squeeze %dma_start3A_64 : memref<1x128x16xf32, #tpu.memory_space<hbm>> -> memref<128x16xf32, #tpu.memory_space<hbm>>
    %dma_start3A_66 = arith.constant 0 : i32
    %dma_start3A_67 = arith.constant 0 : i32
    %dma_start3A_68 = tpu.memref_slice %arg6[%dma_start3A_66, %dma_start3A_67] : memref<128x16xf32, #tpu.memory_space<vmem>> -> memref<128x16xf32, #tpu.memory_space<vmem>>
    tpu.enqueue_dma source(%dma_start3A_68 : memref<128x16xf32, #tpu.memory_space<vmem>>) target(%dma_start3A_65 : memref<128x16xf32, #tpu.memory_space<hbm>>) target_semaphore(%arg10 : memref<!tpu.dma_semaphore, #tpu.memory_space<semaphore_mem>>)
    %dma_wait3A_69 = arith.constant 0 : i32
    %dma_wait3A_70 = arith.constant 0 : i32
    %dma_wait3A_71 = tpu.memref_slice %arg6[%dma_wait3A_69, %dma_wait3A_70] : memref<128x16xf32, #tpu.memory_space<vmem>> -> memref<128x16xf32, #tpu.memory_space<vmem>>
    %dma_wait3A_72 = arith.constant 0 : i32
    %dma_wait3A_73 = tpu.memref_slice %arg4[%select_n3A, %add3A_56, %dma_wait3A_72] : memref<4x20032x16xf32, #tpu.memory_space<hbm>> -> memref<1x128x16xf32, #tpu.memory_space<hbm>>
    %dma_wait3A_74 = tpu.memref_squeeze %dma_wait3A_73 : memref<1x128x16xf32, #tpu.memory_space<hbm>> -> memref<128x16xf32, #tpu.memory_space<hbm>>
    %dma_wait3A_75 = arith.constant 0 : i32
    %dma_wait3A_76 = tpu.memref_slice %arg4[%select_n3A, %add3A_56, %dma_wait3A_75] : memref<4x20032x16xf32, #tpu.memory_space<hbm>> -> memref<1x128x16xf32, #tpu.memory_space<hbm>>
    %dma_wait3A_77 = tpu.memref_squeeze %dma_wait3A_76 : memref<1x128x16xf32, #tpu.memory_space<hbm>> -> memref<128x16xf32, #tpu.memory_space<hbm>>
    %dma_wait3A_78 = arith.constant 0 : i32
    %dma_wait3A_79 = arith.constant 0 : i32
    %dma_wait3A_80 = tpu.memref_slice %arg6[%dma_wait3A_78, %dma_wait3A_79] : memref<128x16xf32, #tpu.memory_space<vmem>> -> memref<128x16xf32, #tpu.memory_space<vmem>>
    tpu.wait_dma2 semaphore(%arg10 : memref<!tpu.dma_semaphore, #tpu.memory_space<semaphore_mem>>) src(%dma_wait3A_80 : memref<128x16xf32, #tpu.memory_space<vmem>>) dst(%dma_wait3A_77 : memref<128x16xf32, #tpu.memory_space<hbm>>)
    %dma_start3A_81 = arith.constant 0 : i32
    %dma_start3A_82 = arith.constant 0 : i32
    %dma_start3A_83 = tpu.memref_slice %arg6[%dma_start3A_81, %dma_start3A_82] : memref<128x16xf32, #tpu.memory_space<vmem>> -> memref<128x16xf32, #tpu.memory_space<vmem>>
    %dma_start3A_84 = arith.constant 256 : i32
    %dma_start3A_85 = tpu.memref_slice %arg5[%dma_start3A_84] : memref<2504xi32, #tpu.memory_space<vmem>> -> memref<128xi32, #tpu.memory_space<vmem>>
    %dma_start3A_86 = arith.constant 0 : i32
    %dma_start3A_87 = arith.constant 0 : i32
    %dma_start3A_88 = tpu.memref_slice %arg2[%dma_start3A_86, %dma_start3A_87] : memref<20000x16xf32, #tpu.memory_space<hbm>> -> memref<20000x16xf32, #tpu.memory_space<hbm>>
    tpu.enqueue_indirect_dma source(%dma_start3A_88 : memref<20000x16xf32, #tpu.memory_space<hbm>>) target(%dma_start3A_83 : memref<128x16xf32, #tpu.memory_space<vmem>>) offsets(%dma_start3A_85 : memref<128xi32, #tpu.memory_space<vmem>>) semaphore(%arg8 : memref<!tpu.dma_semaphore, #tpu.memory_space<semaphore_mem>>)
    %dma_wait3A_89 = arith.constant 0 : i32
    %dma_wait3A_90 = arith.constant 0 : i32
    %dma_wait3A_91 = tpu.memref_slice %arg7[%dma_wait3A_89, %dma_wait3A_90] : memref<128x16xf32, #tpu.memory_space<vmem>> -> memref<128x16xf32, #tpu.memory_space<vmem>>
    %dma_wait3A_92 = arith.constant 128 : i32
    %dma_wait3A_93 = tpu.memref_slice %arg5[%dma_wait3A_92] : memref<2504xi32, #tpu.memory_space<vmem>> -> memref<128xi32, #tpu.memory_space<vmem>>
    %dma_wait3A_94 = arith.constant 0 : i32
    %dma_wait3A_95 = arith.constant 0 : i32
    %dma_wait3A_96 = tpu.memref_slice %arg2[%dma_wait3A_94, %dma_wait3A_95] : memref<20000x16xf32, #tpu.memory_space<hbm>> -> memref<20000x16xf32, #tpu.memory_space<hbm>>
    tpu.wait_indirect_dma semaphore(%arg9 : memref<!tpu.dma_semaphore, #tpu.memory_space<semaphore_mem>>) src(%dma_wait3A_96 : memref<20000x16xf32, #tpu.memory_space<hbm>>) dst(%dma_wait3A_91 : memref<128x16xf32, #tpu.memory_space<vmem>>)
    %add3A_97 = arith.constant 128 : i32
    %add3A_98 = arith.addi %mul3A_32, %add3A_97 : i32
    %dma_start3A_99 = arith.constant 0 : i32
    %dma_start3A_100 = arith.constant 0 : i32
    %dma_start3A_101 = tpu.memref_slice %arg7[%dma_start3A_99, %dma_start3A_100] : memref<128x16xf32, #tpu.memory_space<vmem>> -> memref<128x16xf32, #tpu.memory_space<vmem>>
    %dma_start3A_102 = arith.constant 0 : i32
    %dma_start3A_103 = tpu.memref_slice %arg4[%select_n3A, %add3A_98, %dma_start3A_102] : memref<4x20032x16xf32, #tpu.memory_space<hbm>> -> memref<1x128x16xf32, #tpu.memory_space<hbm>>
    %dma_start3A_104 = tpu.memref_squeeze %dma_start3A_103 : memref<1x128x16xf32, #tpu.memory_space<hbm>> -> memref<128x16xf32, #tpu.memory_space<hbm>>
    %dma_start3A_105 = arith.constant 0 : i32
    %dma_start3A_106 = tpu.memref_slice %arg4[%select_n3A, %add3A_98, %dma_start3A_105] : memref<4x20032x16xf32, #tpu.memory_space<hbm>> -> memref<1x128x16xf32, #tpu.memory_space<hbm>>
    %dma_start3A_107 = tpu.memref_squeeze %dma_start3A_106 : memref<1x128x16xf32, #tpu.memory_space<hbm>> -> memref<128x16xf32, #tpu.memory_space<hbm>>
    %dma_start3A_108 = arith.constant 0 : i32
    %dma_start3A_109 = arith.constant 0 : i32
    %dma_start3A_110 = tpu.memref_slice %arg7[%dma_start3A_108, %dma_start3A_109] : memref<128x16xf32, #tpu.memory_space<vmem>> -> memref<128x16xf32, #tpu.memory_space<vmem>>
    tpu.enqueue_dma source(%dma_start3A_110 : memref<128x16xf32, #tpu.memory_space<vmem>>) target(%dma_start3A_107 : memref<128x16xf32, #tpu.memory_space<hbm>>) target_semaphore(%arg11 : memref<!tpu.dma_semaphore, #tpu.memory_space<semaphore_mem>>)
    %dma_wait3A_111 = arith.constant 0 : i32
    %dma_wait3A_112 = arith.constant 0 : i32
    %dma_wait3A_113 = tpu.memref_slice %arg7[%dma_wait3A_111, %dma_wait3A_112] : memref<128x16xf32, #tpu.memory_space<vmem>> -> memref<128x16xf32, #tpu.memory_space<vmem>>
    %dma_wait3A_114 = arith.constant 0 : i32
    %dma_wait3A_115 = tpu.memref_slice %arg4[%select_n3A, %add3A_98, %dma_wait3A_114] : memref<4x20032x16xf32, #tpu.memory_space<hbm>> -> memref<1x128x16xf32, #tpu.memory_space<hbm>>
    %dma_wait3A_116 = tpu.memref_squeeze %dma_wait3A_115 : memref<1x128x16xf32, #tpu.memory_space<hbm>> -> memref<128x16xf32, #tpu.memory_space<hbm>>
    %dma_wait3A_117 = arith.constant 0 : i32
    %dma_wait3A_118 = tpu.memref_slice %arg4[%select_n3A, %add3A_98, %dma_wait3A_117] : memref<4x20032x16xf32, #tpu.memory_space<hbm>> -> memref<1x128x16xf32, #tpu.memory_space<hbm>>
    %dma_wait3A_119 = tpu.memref_squeeze %dma_wait3A_118 : memref<1x128x16xf32, #tpu.memory_space<hbm>> -> memref<128x16xf32, #tpu.memory_space<hbm>>
    %dma_wait3A_120 = arith.constant 0 : i32
    %dma_wait3A_121 = arith.constant 0 : i32
    %dma_wait3A_122 = tpu.memref_slice %arg7[%dma_wait3A_120, %dma_wait3A_121] : memref<128x16xf32, #tpu.memory_space<vmem>> -> memref<128x16xf32, #tpu.memory_space<vmem>>
    tpu.wait_dma2 semaphore(%arg11 : memref<!tpu.dma_semaphore, #tpu.memory_space<semaphore_mem>>) src(%dma_wait3A_122 : memref<128x16xf32, #tpu.memory_space<vmem>>) dst(%dma_wait3A_119 : memref<128x16xf32, #tpu.memory_space<hbm>>)
    %dma_start3A_123 = arith.constant 0 : i32
    %dma_start3A_124 = arith.constant 0 : i32
    %dma_start3A_125 = tpu.memref_slice %arg7[%dma_start3A_123, %dma_start3A_124] : memref<128x16xf32, #tpu.memory_space<vmem>> -> memref<128x16xf32, #tpu.memory_space<vmem>>
    %dma_start3A_126 = arith.constant 384 : i32
    %dma_start3A_127 = tpu.memref_slice %arg5[%dma_start3A_126] : memref<2504xi32, #tpu.memory_space<vmem>> -> memref<128xi32, #tpu.memory_space<vmem>>
    %dma_start3A_128 = arith.constant 0 : i32
    %dma_start3A_129 = arith.constant 0 : i32
    %dma_start3A_130 = tpu.memref_slice %arg2[%dma_start3A_128, %dma_start3A_129] : memref<20000x16xf32, #tpu.memory_space<hbm>> -> memref<20000x16xf32, #tpu.memory_space<hbm>>
    tpu.enqueue_indirect_dma source(%dma_start3A_130 : memref<20000x16xf32, #tpu.memory_space<hbm>>) target(%dma_start3A_125 : memref<128x16xf32, #tpu.memory_space<vmem>>) offsets(%dma_start3A_127 : memref<128xi32, #tpu.memory_space<vmem>>) semaphore(%arg9 : memref<!tpu.dma_semaphore, #tpu.memory_space<semaphore_mem>>)
    %dma_wait3A_131 = arith.constant 0 : i32
    %dma_wait3A_132 = arith.constant 0 : i32
    %dma_wait3A_133 = tpu.memref_slice %arg6[%dma_wait3A_131, %dma_wait3A_132] : memref<128x16xf32, #tpu.memory_space<vmem>> -> memref<128x16xf32, #tpu.memory_space<vmem>>
    %dma_wait3A_134 = arith.constant 256 : i32
    %dma_wait3A_135 = tpu.memref_slice %arg5[%dma_wait3A_134] : memref<2504xi32, #tpu.memory_space<vmem>> -> memref<128xi32, #tpu.memory_space<vmem>>
    %dma_wait3A_136 = arith.constant 0 : i32
    %dma_wait3A_137 = arith.constant 0 : i32
    %dma_wait3A_138 = tpu.memref_slice %arg2[%dma_wait3A_136, %dma_wait3A_137] : memref<20000x16xf32, #tpu.memory_space<hbm>> -> memref<20000x16xf32, #tpu.memory_space<hbm>>
    tpu.wait_indirect_dma semaphore(%arg8 : memref<!tpu.dma_semaphore, #tpu.memory_space<semaphore_mem>>) src(%dma_wait3A_138 : memref<20000x16xf32, #tpu.memory_space<hbm>>) dst(%dma_wait3A_133 : memref<128x16xf32, #tpu.memory_space<vmem>>)
    %add3A_139 = arith.constant 256 : i32
    %add3A_140 = arith.addi %mul3A_32, %add3A_139 : i32
    %dma_start3A_141 = arith.constant 0 : i32
    %dma_start3A_142 = arith.constant 0 : i32
    %dma_start3A_143 = tpu.memref_slice %arg6[%dma_start3A_141, %dma_start3A_142] : memref<128x16xf32, #tpu.memory_space<vmem>> -> memref<128x16xf32, #tpu.memory_space<vmem>>
    %dma_start3A_144 = arith.constant 0 : i32
    %dma_start3A_145 = tpu.memref_slice %arg4[%select_n3A, %add3A_140, %dma_start3A_144] : memref<4x20032x16xf32, #tpu.memory_space<hbm>> -> memref<1x128x16xf32, #tpu.memory_space<hbm>>
    %dma_start3A_146 = tpu.memref_squeeze %dma_start3A_145 : memref<1x128x16xf32, #tpu.memory_space<hbm>> -> memref<128x16xf32, #tpu.memory_space<hbm>>
    %dma_start3A_147 = arith.constant 0 : i32
    %dma_start3A_148 = tpu.memref_slice %arg4[%select_n3A, %add3A_140, %dma_start3A_147] : memref<4x20032x16xf32, #tpu.memory_space<hbm>> -> memref<1x128x16xf32, #tpu.memory_space<hbm>>
    %dma_start3A_149 = tpu.memref_squeeze %dma_start3A_148 : memref<1x128x16xf32, #tpu.memory_space<hbm>> -> memref<128x16xf32, #tpu.memory_space<hbm>>
    %dma_start3A_150 = arith.constant 0 : i32
    %dma_start3A_151 = arith.constant 0 : i32
    %dma_start3A_152 = tpu.memref_slice %arg6[%dma_start3A_150, %dma_start3A_151] : memref<128x16xf32, #tpu.memory_space<vmem>> -> memref<128x16xf32, #tpu.memory_space<vmem>>
    tpu.enqueue_dma source(%dma_start3A_152 : memref<128x16xf32, #tpu.memory_space<vmem>>) target(%dma_start3A_149 : memref<128x16xf32, #tpu.memory_space<hbm>>) target_semaphore(%arg10 : memref<!tpu.dma_semaphore, #tpu.memory_space<semaphore_mem>>)
    %dma_wait3A_153 = arith.constant 0 : i32
    %dma_wait3A_154 = arith.constant 0 : i32
    %dma_wait3A_155 = tpu.memref_slice %arg6[%dma_wait3A_153, %dma_wait3A_154] : memref<128x16xf32, #tpu.memory_space<vmem>> -> memref<128x16xf32, #tpu.memory_space<vmem>>
    %dma_wait3A_156 = arith.constant 0 : i32
    %dma_wait3A_157 = tpu.memref_slice %arg4[%select_n3A, %add3A_140, %dma_wait3A_156] : memref<4x20032x16xf32, #tpu.memory_space<hbm>> -> memref<1x128x16xf32, #tpu.memory_space<hbm>>
    %dma_wait3A_158 = tpu.memref_squeeze %dma_wait3A_157 : memref<1x128x16xf32, #tpu.memory_space<hbm>> -> memref<128x16xf32, #tpu.memory_space<hbm>>
    %dma_wait3A_159 = arith.constant 0 : i32
    %dma_wait3A_160 = tpu.memref_slice %arg4[%select_n3A, %add3A_140, %dma_wait3A_159] : memref<4x20032x16xf32, #tpu.memory_space<hbm>> -> memref<1x128x16xf32, #tpu.memory_space<hbm>>
    %dma_wait3A_161 = tpu.memref_squeeze %dma_wait3A_160 : memref<1x128x16xf32, #tpu.memory_space<hbm>> -> memref<128x16xf32, #tpu.memory_space<hbm>>
    %dma_wait3A_162 = arith.constant 0 : i32
    %dma_wait3A_163 = arith.constant 0 : i32
    %dma_wait3A_164 = tpu.memref_slice %arg6[%dma_wait3A_162, %dma_wait3A_163] : memref<128x16xf32, #tpu.memory_space<vmem>> -> memref<128x16xf32, #tpu.memory_space<vmem>>
    tpu.wait_dma2 semaphore(%arg10 : memref<!tpu.dma_semaphore, #tpu.memory_space<semaphore_mem>>) src(%dma_wait3A_164 : memref<128x16xf32, #tpu.memory_space<vmem>>) dst(%dma_wait3A_161 : memref<128x16xf32, #tpu.memory_space<hbm>>)
    %dma_start3A_165 = arith.constant 0 : i32
    %dma_start3A_166 = arith.constant 0 : i32
    %dma_start3A_167 = tpu.memref_slice %arg6[%dma_start3A_165, %dma_start3A_166] : memref<128x16xf32, #tpu.memory_space<vmem>> -> memref<128x16xf32, #tpu.memory_space<vmem>>
    %dma_start3A_168 = arith.constant 512 : i32
    %dma_start3A_169 = tpu.memref_slice %arg5[%dma_start3A_168] : memref<2504xi32, #tpu.memory_space<vmem>> -> memref<128xi32, #tpu.memory_space<vmem>>
    %dma_start3A_170 = arith.constant 0 : i32
    %dma_start3A_171 = arith.constant 0 : i32
    %dma_start3A_172 = tpu.memref_slice %arg2[%dma_start3A_170, %dma_start3A_171] : memref<20000x16xf32, #tpu.memory_space<hbm>> -> memref<20000x16xf32, #tpu.memory_space<hbm>>
    tpu.enqueue_indirect_dma source(%dma_start3A_172 : memref<20000x16xf32, #tpu.memory_space<hbm>>) target(%dma_start3A_167 : memref<128x16xf32, #tpu.memory_space<vmem>>) offsets(%dma_start3A_169 : memref<128xi32, #tpu.memory_space<vmem>>) semaphore(%arg8 : memref<!tpu.dma_semaphore, #tpu.memory_space<semaphore_mem>>)
    %dma_wait3A_173 = arith.constant 0 : i32
    %dma_wait3A_174 = arith.constant 0 : i32
    %dma_wait3A_175 = tpu.memref_slice %arg7[%dma_wait3A_173, %dma_wait3A_174] : memref<128x16xf32, #tpu.memory_space<vmem>> -> memref<128x16xf32, #tpu.memory_space<vmem>>
    %dma_wait3A_176 = arith.constant 384 : i32
    %dma_wait3A_177 = tpu.memref_slice %arg5[%dma_wait3A_176] : memref<2504xi32, #tpu.memory_space<vmem>> -> memref<128xi32, #tpu.memory_space<vmem>>
    %dma_wait3A_178 = arith.constant 0 : i32
    %dma_wait3A_179 = arith.constant 0 : i32
    %dma_wait3A_180 = tpu.memref_slice %arg2[%dma_wait3A_178, %dma_wait3A_179] : memref<20000x16xf32, #tpu.memory_space<hbm>> -> memref<20000x16xf32, #tpu.memory_space<hbm>>
    tpu.wait_indirect_dma semaphore(%arg9 : memref<!tpu.dma_semaphore, #tpu.memory_space<semaphore_mem>>) src(%dma_wait3A_180 : memref<20000x16xf32, #tpu.memory_space<hbm>>) dst(%dma_wait3A_175 : memref<128x16xf32, #tpu.memory_space<vmem>>)
    %add3A_181 = arith.constant 384 : i32
    %add3A_182 = arith.addi %mul3A_32, %add3A_181 : i32
    %dma_start3A_183 = arith.constant 0 : i32
    %dma_start3A_184 = arith.constant 0 : i32
    %dma_start3A_185 = tpu.memref_slice %arg7[%dma_start3A_183, %dma_start3A_184] : memref<128x16xf32, #tpu.memory_space<vmem>> -> memref<128x16xf32, #tpu.memory_space<vmem>>
    %dma_start3A_186 = arith.constant 0 : i32
    %dma_start3A_187 = tpu.memref_slice %arg4[%select_n3A, %add3A_182, %dma_start3A_186] : memref<4x20032x16xf32, #tpu.memory_space<hbm>> -> memref<1x128x16xf32, #tpu.memory_space<hbm>>
    %dma_start3A_188 = tpu.memref_squeeze %dma_start3A_187 : memref<1x128x16xf32, #tpu.memory_space<hbm>> -> memref<128x16xf32, #tpu.memory_space<hbm>>
    %dma_start3A_189 = arith.constant 0 : i32
    %dma_start3A_190 = tpu.memref_slice %arg4[%select_n3A, %add3A_182, %dma_start3A_189] : memref<4x20032x16xf32, #tpu.memory_space<hbm>> -> memref<1x128x16xf32, #tpu.memory_space<hbm>>
    %dma_start3A_191 = tpu.memref_squeeze %dma_start3A_190 : memref<1x128x16xf32, #tpu.memory_space<hbm>> -> memref<128x16xf32, #tpu.memory_space<hbm>>
    %dma_start3A_192 = arith.constant 0 : i32
    %dma_start3A_193 = arith.constant 0 : i32
    %dma_start3A_194 = tpu.memref_slice %arg7[%dma_start3A_192, %dma_start3A_193] : memref<128x16xf32, #tpu.memory_space<vmem>> -> memref<128x16xf32, #tpu.memory_space<vmem>>
    tpu.enqueue_dma source(%dma_start3A_194 : memref<128x16xf32, #tpu.memory_space<vmem>>) target(%dma_start3A_191 : memref<128x16xf32, #tpu.memory_space<hbm>>) target_semaphore(%arg11 : memref<!tpu.dma_semaphore, #tpu.memory_space<semaphore_mem>>)
    %dma_wait3A_195 = arith.constant 0 : i32
    %dma_wait3A_196 = arith.constant 0 : i32
    %dma_wait3A_197 = tpu.memref_slice %arg7[%dma_wait3A_195, %dma_wait3A_196] : memref<128x16xf32, #tpu.memory_space<vmem>> -> memref<128x16xf32, #tpu.memory_space<vmem>>
    %dma_wait3A_198 = arith.constant 0 : i32
    %dma_wait3A_199 = tpu.memref_slice %arg4[%select_n3A, %add3A_182, %dma_wait3A_198] : memref<4x20032x16xf32, #tpu.memory_space<hbm>> -> memref<1x128x16xf32, #tpu.memory_space<hbm>>
    %dma_wait3A_200 = tpu.memref_squeeze %dma_wait3A_199 : memref<1x128x16xf32, #tpu.memory_space<hbm>> -> memref<128x16xf32, #tpu.memory_space<hbm>>
    %dma_wait3A_201 = arith.constant 0 : i32
    %dma_wait3A_202 = tpu.memref_slice %arg4[%select_n3A, %add3A_182, %dma_wait3A_201] : memref<4x20032x16xf32, #tpu.memory_space<hbm>> -> memref<1x128x16xf32, #tpu.memory_space<hbm>>
    %dma_wait3A_203 = tpu.memref_squeeze %dma_wait3A_202 : memref<1x128x16xf32, #tpu.memory_space<hbm>> -> memref<128x16xf32, #tpu.memory_space<hbm>>
    %dma_wait3A_204 = arith.constant 0 : i32
    %dma_wait3A_205 = arith.constant 0 : i32
    %dma_wait3A_206 = tpu.memref_slice %arg7[%dma_wait3A_204, %dma_wait3A_205] : memref<128x16xf32, #tpu.memory_space<vmem>> -> memref<128x16xf32, #tpu.memory_space<vmem>>
    tpu.wait_dma2 semaphore(%arg11 : memref<!tpu.dma_semaphore, #tpu.memory_space<semaphore_mem>>) src(%dma_wait3A_206 : memref<128x16xf32, #tpu.memory_space<vmem>>) dst(%dma_wait3A_203 : memref<128x16xf32, #tpu.memory_space<hbm>>)
    %dma_start3A_207 = arith.constant 0 : i32
    %dma_start3A_208 = arith.constant 0 : i32
    %dma_start3A_209 = tpu.memref_slice %arg7[%dma_start3A_207, %dma_start3A_208] : memref<128x16xf32, #tpu.memory_space<vmem>> -> memref<128x16xf32, #tpu.memory_space<vmem>>
    %dma_start3A_210 = arith.constant 640 : i32
    %dma_start3A_211 = tpu.memref_slice %arg5[%dma_start3A_210] : memref<2504xi32, #tpu.memory_space<vmem>> -> memref<128xi32, #tpu.memory_space<vmem>>
    %dma_start3A_212 = arith.constant 0 : i32
    %dma_start3A_213 = arith.constant 0 : i32
    %dma_start3A_214 = tpu.memref_slice %arg2[%dma_start3A_212, %dma_start3A_213] : memref<20000x16xf32, #tpu.memory_space<hbm>> -> memref<20000x16xf32, #tpu.memory_space<hbm>>
    tpu.enqueue_indirect_dma source(%dma_start3A_214 : memref<20000x16xf32, #tpu.memory_space<hbm>>) target(%dma_start3A_209 : memref<128x16xf32, #tpu.memory_space<vmem>>) offsets(%dma_start3A_211 : memref<128xi32, #tpu.memory_space<vmem>>) semaphore(%arg9 : memref<!tpu.dma_semaphore, #tpu.memory_space<semaphore_mem>>)
    %dma_wait3A_215 = arith.constant 0 : i32
    %dma_wait3A_216 = arith.constant 0 : i32
    %dma_wait3A_217 = tpu.memref_slice %arg6[%dma_wait3A_215, %dma_wait3A_216] : memref<128x16xf32, #tpu.memory_space<vmem>> -> memref<128x16xf32, #tpu.memory_space<vmem>>
    %dma_wait3A_218 = arith.constant 512 : i32
    %dma_wait3A_219 = tpu.memref_slice %arg5[%dma_wait3A_218] : memref<2504xi32, #tpu.memory_space<vmem>> -> memref<128xi32, #tpu.memory_space<vmem>>
    %dma_wait3A_220 = arith.constant 0 : i32
    %dma_wait3A_221 = arith.constant 0 : i32
    %dma_wait3A_222 = tpu.memref_slice %arg2[%dma_wait3A_220, %dma_wait3A_221] : memref<20000x16xf32, #tpu.memory_space<hbm>> -> memref<20000x16xf32, #tpu.memory_space<hbm>>
    tpu.wait_indirect_dma semaphore(%arg8 : memref<!tpu.dma_semaphore, #tpu.memory_space<semaphore_mem>>) src(%dma_wait3A_222 : memref<20000x16xf32, #tpu.memory_space<hbm>>) dst(%dma_wait3A_217 : memref<128x16xf32, #tpu.memory_space<vmem>>)
    %add3A_223 = arith.constant 512 : i32
    %add3A_224 = arith.addi %mul3A_32, %add3A_223 : i32
    %dma_start3A_225 = arith.constant 0 : i32
    %dma_start3A_226 = arith.constant 0 : i32
    %dma_start3A_227 = tpu.memref_slice %arg6[%dma_start3A_225, %dma_start3A_226] : memref<128x16xf32, #tpu.memory_space<vmem>> -> memref<128x16xf32, #tpu.memory_space<vmem>>
    %dma_start3A_228 = arith.constant 0 : i32
    %dma_start3A_229 = tpu.memref_slice %arg4[%select_n3A, %add3A_224, %dma_start3A_228] : memref<4x20032x16xf32, #tpu.memory_space<hbm>> -> memref<1x128x16xf32, #tpu.memory_space<hbm>>
    %dma_start3A_230 = tpu.memref_squeeze %dma_start3A_229 : memref<1x128x16xf32, #tpu.memory_space<hbm>> -> memref<128x16xf32, #tpu.memory_space<hbm>>
    %dma_start3A_231 = arith.constant 0 : i32
    %dma_start3A_232 = tpu.memref_slice %arg4[%select_n3A, %add3A_224, %dma_start3A_231] : memref<4x20032x16xf32, #tpu.memory_space<hbm>> -> memref<1x128x16xf32, #tpu.memory_space<hbm>>
    %dma_start3A_233 = tpu.memref_squeeze %dma_start3A_232 : memref<1x128x16xf32, #tpu.memory_space<hbm>> -> memref<128x16xf32, #tpu.memory_space<hbm>>
    %dma_start3A_234 = arith.constant 0 : i32
    %dma_start3A_235 = arith.constant 0 : i32
    %dma_start3A_236 = tpu.memref_slice %arg6[%dma_start3A_234, %dma_start3A_235] : memref<128x16xf32, #tpu.memory_space<vmem>> -> memref<128x16xf32, #tpu.memory_space<vmem>>
    tpu.enqueue_dma source(%dma_start3A_236 : memref<128x16xf32, #tpu.memory_space<vmem>>) target(%dma_start3A_233 : memref<128x16xf32, #tpu.memory_space<hbm>>) target_semaphore(%arg10 : memref<!tpu.dma_semaphore, #tpu.memory_space<semaphore_mem>>)
    %dma_wait3A_237 = arith.constant 0 : i32
    %dma_wait3A_238 = arith.constant 0 : i32
    %dma_wait3A_239 = tpu.memref_slice %arg6[%dma_wait3A_237, %dma_wait3A_238] : memref<128x16xf32, #tpu.memory_space<vmem>> -> memref<128x16xf32, #tpu.memory_space<vmem>>
    %dma_wait3A_240 = arith.constant 0 : i32
    %dma_wait3A_241 = tpu.memref_slice %arg4[%select_n3A, %add3A_224, %dma_wait3A_240] : memref<4x20032x16xf32, #tpu.memory_space<hbm>> -> memref<1x128x16xf32, #tpu.memory_space<hbm>>
    %dma_wait3A_242 = tpu.memref_squeeze %dma_wait3A_241 : memref<1x128x16xf32, #tpu.memory_space<hbm>> -> memref<128x16xf32, #tpu.memory_space<hbm>>
    %dma_wait3A_243 = arith.constant 0 : i32
    %dma_wait3A_244 = tpu.memref_slice %arg4[%select_n3A, %add3A_224, %dma_wait3A_243] : memref<4x20032x16xf32, #tpu.memory_space<hbm>> -> memref<1x128x16xf32, #tpu.memory_space<hbm>>
    %dma_wait3A_245 = tpu.memref_squeeze %dma_wait3A_244 : memref<1x128x16xf32, #tpu.memory_space<hbm>> -> memref<128x16xf32, #tpu.memory_space<hbm>>
    %dma_wait3A_246 = arith.constant 0 : i32
    %dma_wait3A_247 = arith.constant 0 : i32
    %dma_wait3A_248 = tpu.memref_slice %arg6[%dma_wait3A_246, %dma_wait3A_247] : memref<128x16xf32, #tpu.memory_space<vmem>> -> memref<128x16xf32, #tpu.memory_space<vmem>>
    tpu.wait_dma2 semaphore(%arg10 : memref<!tpu.dma_semaphore, #tpu.memory_space<semaphore_mem>>) src(%dma_wait3A_248 : memref<128x16xf32, #tpu.memory_space<vmem>>) dst(%dma_wait3A_245 : memref<128x16xf32, #tpu.memory_space<hbm>>)
    %dma_start3A_249 = arith.constant 0 : i32
    %dma_start3A_250 = arith.constant 0 : i32
    %dma_start3A_251 = tpu.memref_slice %arg6[%dma_start3A_249, %dma_start3A_250] : memref<128x16xf32, #tpu.memory_space<vmem>> -> memref<128x16xf32, #tpu.memory_space<vmem>>
    %dma_start3A_252 = arith.constant 768 : i32
    %dma_start3A_253 = tpu.memref_slice %arg5[%dma_start3A_252] : memref<2504xi32, #tpu.memory_space<vmem>> -> memref<128xi32, #tpu.memory_space<vmem>>
    %dma_start3A_254 = arith.constant 0 : i32
    %dma_start3A_255 = arith.constant 0 : i32
    %dma_start3A_256 = tpu.memref_slice %arg2[%dma_start3A_254, %dma_start3A_255] : memref<20000x16xf32, #tpu.memory_space<hbm>> -> memref<20000x16xf32, #tpu.memory_space<hbm>>
    tpu.enqueue_indirect_dma source(%dma_start3A_256 : memref<20000x16xf32, #tpu.memory_space<hbm>>) target(%dma_start3A_251 : memref<128x16xf32, #tpu.memory_space<vmem>>) offsets(%dma_start3A_253 : memref<128xi32, #tpu.memory_space<vmem>>) semaphore(%arg8 : memref<!tpu.dma_semaphore, #tpu.memory_space<semaphore_mem>>)
    %dma_wait3A_257 = arith.constant 0 : i32
    %dma_wait3A_258 = arith.constant 0 : i32
    %dma_wait3A_259 = tpu.memref_slice %arg7[%dma_wait3A_257, %dma_wait3A_258] : memref<128x16xf32, #tpu.memory_space<vmem>> -> memref<128x16xf32, #tpu.memory_space<vmem>>
    %dma_wait3A_260 = arith.constant 640 : i32
    %dma_wait3A_261 = tpu.memref_slice %arg5[%dma_wait3A_260] : memref<2504xi32, #tpu.memory_space<vmem>> -> memref<128xi32, #tpu.memory_space<vmem>>
    %dma_wait3A_262 = arith.constant 0 : i32
    %dma_wait3A_263 = arith.constant 0 : i32
    %dma_wait3A_264 = tpu.memref_slice %arg2[%dma_wait3A_262, %dma_wait3A_263] : memref<20000x16xf32, #tpu.memory_space<hbm>> -> memref<20000x16xf32, #tpu.memory_space<hbm>>
    tpu.wait_indirect_dma semaphore(%arg9 : memref<!tpu.dma_semaphore, #tpu.memory_space<semaphore_mem>>) src(%dma_wait3A_264 : memref<20000x16xf32, #tpu.memory_space<hbm>>) dst(%dma_wait3A_259 : memref<128x16xf32, #tpu.memory_space<vmem>>)
    %add3A_265 = arith.constant 640 : i32
    %add3A_266 = arith.addi %mul3A_32, %add3A_265 : i32
    %dma_start3A_267 = arith.constant 0 : i32
    %dma_start3A_268 = arith.constant 0 : i32
    %dma_start3A_269 = tpu.memref_slice %arg7[%dma_start3A_267, %dma_start3A_268] : memref<128x16xf32, #tpu.memory_space<vmem>> -> memref<128x16xf32, #tpu.memory_space<vmem>>
    %dma_start3A_270 = arith.constant 0 : i32
    %dma_start3A_271 = tpu.memref_slice %arg4[%select_n3A, %add3A_266, %dma_start3A_270] : memref<4x20032x16xf32, #tpu.memory_space<hbm>> -> memref<1x128x16xf32, #tpu.memory_space<hbm>>
    %dma_start3A_272 = tpu.memref_squeeze %dma_start3A_271 : memref<1x128x16xf32, #tpu.memory_space<hbm>> -> memref<128x16xf32, #tpu.memory_space<hbm>>
    %dma_start3A_273 = arith.constant 0 : i32
    %dma_start3A_274 = tpu.memref_slice %arg4[%select_n3A, %add3A_266, %dma_start3A_273] : memref<4x20032x16xf32, #tpu.memory_space<hbm>> -> memref<1x128x16xf32, #tpu.memory_space<hbm>>
    %dma_start3A_275 = tpu.memref_squeeze %dma_start3A_274 : memref<1x128x16xf32, #tpu.memory_space<hbm>> -> memref<128x16xf32, #tpu.memory_space<hbm>>
    %dma_start3A_276 = arith.constant 0 : i32
    %dma_start3A_277 = arith.constant 0 : i32
    %dma_start3A_278 = tpu.memref_slice %arg7[%dma_start3A_276, %dma_start3A_277] : memref<128x16xf32, #tpu.memory_space<vmem>> -> memref<128x16xf32, #tpu.memory_space<vmem>>
    tpu.enqueue_dma source(%dma_start3A_278 : memref<128x16xf32, #tpu.memory_space<vmem>>) target(%dma_start3A_275 : memref<128x16xf32, #tpu.memory_space<hbm>>) target_semaphore(%arg11 : memref<!tpu.dma_semaphore, #tpu.memory_space<semaphore_mem>>)
    %dma_wait3A_279 = arith.constant 0 : i32
    %dma_wait3A_280 = arith.constant 0 : i32
    %dma_wait3A_281 = tpu.memref_slice %arg7[%dma_wait3A_279, %dma_wait3A_280] : memref<128x16xf32, #tpu.memory_space<vmem>> -> memref<128x16xf32, #tpu.memory_space<vmem>>
    %dma_wait3A_282 = arith.constant 0 : i32
    %dma_wait3A_283 = tpu.memref_slice %arg4[%select_n3A, %add3A_266, %dma_wait3A_282] : memref<4x20032x16xf32, #tpu.memory_space<hbm>> -> memref<1x128x16xf32, #tpu.memory_space<hbm>>
    %dma_wait3A_284 = tpu.memref_squeeze %dma_wait3A_283 : memref<1x128x16xf32, #tpu.memory_space<hbm>> -> memref<128x16xf32, #tpu.memory_space<hbm>>
    %dma_wait3A_285 = arith.constant 0 : i32
    %dma_wait3A_286 = tpu.memref_slice %arg4[%select_n3A, %add3A_266, %dma_wait3A_285] : memref<4x20032x16xf32, #tpu.memory_space<hbm>> -> memref<1x128x16xf32, #tpu.memory_space<hbm>>
    %dma_wait3A_287 = tpu.memref_squeeze %dma_wait3A_286 : memref<1x128x16xf32, #tpu.memory_space<hbm>> -> memref<128x16xf32, #tpu.memory_space<hbm>>
    %dma_wait3A_288 = arith.constant 0 : i32
    %dma_wait3A_289 = arith.constant 0 : i32
    %dma_wait3A_290 = tpu.memref_slice %arg7[%dma_wait3A_288, %dma_wait3A_289] : memref<128x16xf32, #tpu.memory_space<vmem>> -> memref<128x16xf32, #tpu.memory_space<vmem>>
    tpu.wait_dma2 semaphore(%arg11 : memref<!tpu.dma_semaphore, #tpu.memory_space<semaphore_mem>>) src(%dma_wait3A_290 : memref<128x16xf32, #tpu.memory_space<vmem>>) dst(%dma_wait3A_287 : memref<128x16xf32, #tpu.memory_space<hbm>>)
    %dma_start3A_291 = arith.constant 0 : i32
    %dma_start3A_292 = arith.constant 0 : i32
    %dma_start3A_293 = tpu.memref_slice %arg7[%dma_start3A_291, %dma_start3A_292] : memref<128x16xf32, #tpu.memory_space<vmem>> -> memref<128x16xf32, #tpu.memory_space<vmem>>
    %dma_start3A_294 = arith.constant 896 : i32
    %dma_start3A_295 = tpu.memref_slice %arg5[%dma_start3A_294] : memref<2504xi32, #tpu.memory_space<vmem>> -> memref<128xi32, #tpu.memory_space<vmem>>
    %dma_start3A_296 = arith.constant 0 : i32
    %dma_start3A_297 = arith.constant 0 : i32
    %dma_start3A_298 = tpu.memref_slice %arg2[%dma_start3A_296, %dma_start3A_297] : memref<20000x16xf32, #tpu.memory_space<hbm>> -> memref<20000x16xf32, #tpu.memory_space<hbm>>
    tpu.enqueue_indirect_dma source(%dma_start3A_298 : memref<20000x16xf32, #tpu.memory_space<hbm>>) target(%dma_start3A_293 : memref<128x16xf32, #tpu.memory_space<vmem>>) offsets(%dma_start3A_295 : memref<128xi32, #tpu.memory_space<vmem>>) semaphore(%arg9 : memref<!tpu.dma_semaphore, #tpu.memory_space<semaphore_mem>>)
    %dma_wait3A_299 = arith.constant 0 : i32
    %dma_wait3A_300 = arith.constant 0 : i32
    %dma_wait3A_301 = tpu.memref_slice %arg6[%dma_wait3A_299, %dma_wait3A_300] : memref<128x16xf32, #tpu.memory_space<vmem>> -> memref<128x16xf32, #tpu.memory_space<vmem>>
    %dma_wait3A_302 = arith.constant 768 : i32
    %dma_wait3A_303 = tpu.memref_slice %arg5[%dma_wait3A_302] : memref<2504xi32, #tpu.memory_space<vmem>> -> memref<128xi32, #tpu.memory_space<vmem>>
    %dma_wait3A_304 = arith.constant 0 : i32
    %dma_wait3A_305 = arith.constant 0 : i32
    %dma_wait3A_306 = tpu.memref_slice %arg2[%dma_wait3A_304, %dma_wait3A_305] : memref<20000x16xf32, #tpu.memory_space<hbm>> -> memref<20000x16xf32, #tpu.memory_space<hbm>>
    tpu.wait_indirect_dma semaphore(%arg8 : memref<!tpu.dma_semaphore, #tpu.memory_space<semaphore_mem>>) src(%dma_wait3A_306 : memref<20000x16xf32, #tpu.memory_space<hbm>>) dst(%dma_wait3A_301 : memref<128x16xf32, #tpu.memory_space<vmem>>)
    %add3A_307 = arith.constant 768 : i32
    %add3A_308 = arith.addi %mul3A_32, %add3A_307 : i32
    %dma_start3A_309 = arith.constant 0 : i32
    %dma_start3A_310 = arith.constant 0 : i32
    %dma_start3A_311 = tpu.memref_slice %arg6[%dma_start3A_309, %dma_start3A_310] : memref<128x16xf32, #tpu.memory_space<vmem>> -> memref<128x16xf32, #tpu.memory_space<vmem>>
    %dma_start3A_312 = arith.constant 0 : i32
    %dma_start3A_313 = tpu.memref_slice %arg4[%select_n3A, %add3A_308, %dma_start3A_312] : memref<4x20032x16xf32, #tpu.memory_space<hbm>> -> memref<1x128x16xf32, #tpu.memory_space<hbm>>
    %dma_start3A_314 = tpu.memref_squeeze %dma_start3A_313 : memref<1x128x16xf32, #tpu.memory_space<hbm>> -> memref<128x16xf32, #tpu.memory_space<hbm>>
    %dma_start3A_315 = arith.constant 0 : i32
    %dma_start3A_316 = tpu.memref_slice %arg4[%select_n3A, %add3A_308, %dma_start3A_315] : memref<4x20032x16xf32, #tpu.memory_space<hbm>> -> memref<1x128x16xf32, #tpu.memory_space<hbm>>
    %dma_start3A_317 = tpu.memref_squeeze %dma_start3A_316 : memref<1x128x16xf32, #tpu.memory_space<hbm>> -> memref<128x16xf32, #tpu.memory_space<hbm>>
    %dma_start3A_318 = arith.constant 0 : i32
    %dma_start3A_319 = arith.constant 0 : i32
    %dma_start3A_320 = tpu.memref_slice %arg6[%dma_start3A_318, %dma_start3A_319] : memref<128x16xf32, #tpu.memory_space<vmem>> -> memref<128x16xf32, #tpu.memory_space<vmem>>
    tpu.enqueue_dma source(%dma_start3A_320 : memref<128x16xf32, #tpu.memory_space<vmem>>) target(%dma_start3A_317 : memref<128x16xf32, #tpu.memory_space<hbm>>) target_semaphore(%arg10 : memref<!tpu.dma_semaphore, #tpu.memory_space<semaphore_mem>>)
    %dma_wait3A_321 = arith.constant 0 : i32
    %dma_wait3A_322 = arith.constant 0 : i32
    %dma_wait3A_323 = tpu.memref_slice %arg6[%dma_wait3A_321, %dma_wait3A_322] : memref<128x16xf32, #tpu.memory_space<vmem>> -> memref<128x16xf32, #tpu.memory_space<vmem>>
    %dma_wait3A_324 = arith.constant 0 : i32
    %dma_wait3A_325 = tpu.memref_slice %arg4[%select_n3A, %add3A_308, %dma_wait3A_324] : memref<4x20032x16xf32, #tpu.memory_space<hbm>> -> memref<1x128x16xf32, #tpu.memory_space<hbm>>
    %dma_wait3A_326 = tpu.memref_squeeze %dma_wait3A_325 : memref<1x128x16xf32, #tpu.memory_space<hbm>> -> memref<128x16xf32, #tpu.memory_space<hbm>>
    %dma_wait3A_327 = arith.constant 0 : i32
    %dma_wait3A_328 = tpu.memref_slice %arg4[%select_n3A, %add3A_308, %dma_wait3A_327] : memref<4x20032x16xf32, #tpu.memory_space<hbm>> -> memref<1x128x16xf32, #tpu.memory_space<hbm>>
    %dma_wait3A_329 = tpu.memref_squeeze %dma_wait3A_328 : memref<1x128x16xf32, #tpu.memory_space<hbm>> -> memref<128x16xf32, #tpu.memory_space<hbm>>
    %dma_wait3A_330 = arith.constant 0 : i32
    %dma_wait3A_331 = arith.constant 0 : i32
    %dma_wait3A_332 = tpu.memref_slice %arg6[%dma_wait3A_330, %dma_wait3A_331] : memref<128x16xf32, #tpu.memory_space<vmem>> -> memref<128x16xf32, #tpu.memory_space<vmem>>
    tpu.wait_dma2 semaphore(%arg10 : memref<!tpu.dma_semaphore, #tpu.memory_space<semaphore_mem>>) src(%dma_wait3A_332 : memref<128x16xf32, #tpu.memory_space<vmem>>) dst(%dma_wait3A_329 : memref<128x16xf32, #tpu.memory_space<hbm>>)
    %dma_start3A_333 = arith.constant 0 : i32
    %dma_start3A_334 = arith.constant 0 : i32
    %dma_start3A_335 = tpu.memref_slice %arg6[%dma_start3A_333, %dma_start3A_334] : memref<128x16xf32, #tpu.memory_space<vmem>> -> memref<128x16xf32, #tpu.memory_space<vmem>>
    %dma_start3A_336 = arith.constant 1024 : i32
    %dma_start3A_337 = tpu.memref_slice %arg5[%dma_start3A_336] : memref<2504xi32, #tpu.memory_space<vmem>> -> memref<128xi32, #tpu.memory_space<vmem>>
    %dma_start3A_338 = arith.constant 0 : i32
    %dma_start3A_339 = arith.constant 0 : i32
    %dma_start3A_340 = tpu.memref_slice %arg2[%dma_start3A_338, %dma_start3A_339] : memref<20000x16xf32, #tpu.memory_space<hbm>> -> memref<20000x16xf32, #tpu.memory_space<hbm>>
    tpu.enqueue_indirect_dma source(%dma_start3A_340 : memref<20000x16xf32, #tpu.memory_space<hbm>>) target(%dma_start3A_335 : memref<128x16xf32, #tpu.memory_space<vmem>>) offsets(%dma_start3A_337 : memref<128xi32, #tpu.memory_space<vmem>>) semaphore(%arg8 : memref<!tpu.dma_semaphore, #tpu.memory_space<semaphore_mem>>)
    %dma_wait3A_341 = arith.constant 0 : i32
    %dma_wait3A_342 = arith.constant 0 : i32
    %dma_wait3A_343 = tpu.memref_slice %arg7[%dma_wait3A_341, %dma_wait3A_342] : memref<128x16xf32, #tpu.memory_space<vmem>> -> memref<128x16xf32, #tpu.memory_space<vmem>>
    %dma_wait3A_344 = arith.constant 896 : i32
    %dma_wait3A_345 = tpu.memref_slice %arg5[%dma_wait3A_344] : memref<2504xi32, #tpu.memory_space<vmem>> -> memref<128xi32, #tpu.memory_space<vmem>>
    %dma_wait3A_346 = arith.constant 0 : i32
    %dma_wait3A_347 = arith.constant 0 : i32
    %dma_wait3A_348 = tpu.memref_slice %arg2[%dma_wait3A_346, %dma_wait3A_347] : memref<20000x16xf32, #tpu.memory_space<hbm>> -> memref<20000x16xf32, #tpu.memory_space<hbm>>
    tpu.wait_indirect_dma semaphore(%arg9 : memref<!tpu.dma_semaphore, #tpu.memory_space<semaphore_mem>>) src(%dma_wait3A_348 : memref<20000x16xf32, #tpu.memory_space<hbm>>) dst(%dma_wait3A_343 : memref<128x16xf32, #tpu.memory_space<vmem>>)
    %add3A_349 = arith.constant 896 : i32
    %add3A_350 = arith.addi %mul3A_32, %add3A_349 : i32
    %dma_start3A_351 = arith.constant 0 : i32
    %dma_start3A_352 = arith.constant 0 : i32
    %dma_start3A_353 = tpu.memref_slice %arg7[%dma_start3A_351, %dma_start3A_352] : memref<128x16xf32, #tpu.memory_space<vmem>> -> memref<128x16xf32, #tpu.memory_space<vmem>>
    %dma_start3A_354 = arith.constant 0 : i32
    %dma_start3A_355 = tpu.memref_slice %arg4[%select_n3A, %add3A_350, %dma_start3A_354] : memref<4x20032x16xf32, #tpu.memory_space<hbm>> -> memref<1x128x16xf32, #tpu.memory_space<hbm>>
    %dma_start3A_356 = tpu.memref_squeeze %dma_start3A_355 : memref<1x128x16xf32, #tpu.memory_space<hbm>> -> memref<128x16xf32, #tpu.memory_space<hbm>>
    %dma_start3A_357 = arith.constant 0 : i32
    %dma_start3A_358 = tpu.memref_slice %arg4[%select_n3A, %add3A_350, %dma_start3A_357] : memref<4x20032x16xf32, #tpu.memory_space<hbm>> -> memref<1x128x16xf32, #tpu.memory_space<hbm>>
    %dma_start3A_359 = tpu.memref_squeeze %dma_start3A_358 : memref<1x128x16xf32, #tpu.memory_space<hbm>> -> memref<128x16xf32, #tpu.memory_space<hbm>>
    %dma_start3A_360 = arith.constant 0 : i32
    %dma_start3A_361 = arith.constant 0 : i32
    %dma_start3A_362 = tpu.memref_slice %arg7[%dma_start3A_360, %dma_start3A_361] : memref<128x16xf32, #tpu.memory_space<vmem>> -> memref<128x16xf32, #tpu.memory_space<vmem>>
    tpu.enqueue_dma source(%dma_start3A_362 : memref<128x16xf32, #tpu.memory_space<vmem>>) target(%dma_start3A_359 : memref<128x16xf32, #tpu.memory_space<hbm>>) target_semaphore(%arg11 : memref<!tpu.dma_semaphore, #tpu.memory_space<semaphore_mem>>)
    %dma_wait3A_363 = arith.constant 0 : i32
    %dma_wait3A_364 = arith.constant 0 : i32
    %dma_wait3A_365 = tpu.memref_slice %arg7[%dma_wait3A_363, %dma_wait3A_364] : memref<128x16xf32, #tpu.memory_space<vmem>> -> memref<128x16xf32, #tpu.memory_space<vmem>>
    %dma_wait3A_366 = arith.constant 0 : i32
    %dma_wait3A_367 = tpu.memref_slice %arg4[%select_n3A, %add3A_350, %dma_wait3A_366] : memref<4x20032x16xf32, #tpu.memory_space<hbm>> -> memref<1x128x16xf32, #tpu.memory_space<hbm>>
    %dma_wait3A_368 = tpu.memref_squeeze %dma_wait3A_367 : memref<1x128x16xf32, #tpu.memory_space<hbm>> -> memref<128x16xf32, #tpu.memory_space<hbm>>
    %dma_wait3A_369 = arith.constant 0 : i32
    %dma_wait3A_370 = tpu.memref_slice %arg4[%select_n3A, %add3A_350, %dma_wait3A_369] : memref<4x20032x16xf32, #tpu.memory_space<hbm>> -> memref<1x128x16xf32, #tpu.memory_space<hbm>>
    %dma_wait3A_371 = tpu.memref_squeeze %dma_wait3A_370 : memref<1x128x16xf32, #tpu.memory_space<hbm>> -> memref<128x16xf32, #tpu.memory_space<hbm>>
    %dma_wait3A_372 = arith.constant 0 : i32
    %dma_wait3A_373 = arith.constant 0 : i32
    %dma_wait3A_374 = tpu.memref_slice %arg7[%dma_wait3A_372, %dma_wait3A_373] : memref<128x16xf32, #tpu.memory_space<vmem>> -> memref<128x16xf32, #tpu.memory_space<vmem>>
    tpu.wait_dma2 semaphore(%arg11 : memref<!tpu.dma_semaphore, #tpu.memory_space<semaphore_mem>>) src(%dma_wait3A_374 : memref<128x16xf32, #tpu.memory_space<vmem>>) dst(%dma_wait3A_371 : memref<128x16xf32, #tpu.memory_space<hbm>>)
    %dma_start3A_375 = arith.constant 0 : i32
    %dma_start3A_376 = arith.constant 0 : i32
    %dma_start3A_377 = tpu.memref_slice %arg7[%dma_start3A_375, %dma_start3A_376] : memref<128x16xf32, #tpu.memory_space<vmem>> -> memref<128x16xf32, #tpu.memory_space<vmem>>
    %dma_start3A_378 = arith.constant 1152 : i32
    %dma_start3A_379 = tpu.memref_slice %arg5[%dma_start3A_378] : memref<2504xi32, #tpu.memory_space<vmem>> -> memref<128xi32, #tpu.memory_space<vmem>>
    %dma_start3A_380 = arith.constant 0 : i32
    %dma_start3A_381 = arith.constant 0 : i32
    %dma_start3A_382 = tpu.memref_slice %arg2[%dma_start3A_380, %dma_start3A_381] : memref<20000x16xf32, #tpu.memory_space<hbm>> -> memref<20000x16xf32, #tpu.memory_space<hbm>>
    tpu.enqueue_indirect_dma source(%dma_start3A_382 : memref<20000x16xf32, #tpu.memory_space<hbm>>) target(%dma_start3A_377 : memref<128x16xf32, #tpu.memory_space<vmem>>) offsets(%dma_start3A_379 : memref<128xi32, #tpu.memory_space<vmem>>) semaphore(%arg9 : memref<!tpu.dma_semaphore, #tpu.memory_space<semaphore_mem>>)
    %dma_wait3A_383 = arith.constant 0 : i32
    %dma_wait3A_384 = arith.constant 0 : i32
    %dma_wait3A_385 = tpu.memref_slice %arg6[%dma_wait3A_383, %dma_wait3A_384] : memref<128x16xf32, #tpu.memory_space<vmem>> -> memref<128x16xf32, #tpu.memory_space<vmem>>
    %dma_wait3A_386 = arith.constant 1024 : i32
    %dma_wait3A_387 = tpu.memref_slice %arg5[%dma_wait3A_386] : memref<2504xi32, #tpu.memory_space<vmem>> -> memref<128xi32, #tpu.memory_space<vmem>>
    %dma_wait3A_388 = arith.constant 0 : i32
    %dma_wait3A_389 = arith.constant 0 : i32
    %dma_wait3A_390 = tpu.memref_slice %arg2[%dma_wait3A_388, %dma_wait3A_389] : memref<20000x16xf32, #tpu.memory_space<hbm>> -> memref<20000x16xf32, #tpu.memory_space<hbm>>
    tpu.wait_indirect_dma semaphore(%arg8 : memref<!tpu.dma_semaphore, #tpu.memory_space<semaphore_mem>>) src(%dma_wait3A_390 : memref<20000x16xf32, #tpu.memory_space<hbm>>) dst(%dma_wait3A_385 : memref<128x16xf32, #tpu.memory_space<vmem>>)
    %add3A_391 = arith.constant 1024 : i32
    %add3A_392 = arith.addi %mul3A_32, %add3A_391 : i32
    %dma_start3A_393 = arith.constant 0 : i32
    %dma_start3A_394 = arith.constant 0 : i32
    %dma_start3A_395 = tpu.memref_slice %arg6[%dma_start3A_393, %dma_start3A_394] : memref<128x16xf32, #tpu.memory_space<vmem>> -> memref<128x16xf32, #tpu.memory_space<vmem>>
    %dma_start3A_396 = arith.constant 0 : i32
    %dma_start3A_397 = tpu.memref_slice %arg4[%select_n3A, %add3A_392, %dma_start3A_396] : memref<4x20032x16xf32, #tpu.memory_space<hbm>> -> memref<1x128x16xf32, #tpu.memory_space<hbm>>
    %dma_start3A_398 = tpu.memref_squeeze %dma_start3A_397 : memref<1x128x16xf32, #tpu.memory_space<hbm>> -> memref<128x16xf32, #tpu.memory_space<hbm>>
    %dma_start3A_399 = arith.constant 0 : i32
    %dma_start3A_400 = tpu.memref_slice %arg4[%select_n3A, %add3A_392, %dma_start3A_399] : memref<4x20032x16xf32, #tpu.memory_space<hbm>> -> memref<1x128x16xf32, #tpu.memory_space<hbm>>
    %dma_start3A_401 = tpu.memref_squeeze %dma_start3A_400 : memref<1x128x16xf32, #tpu.memory_space<hbm>> -> memref<128x16xf32, #tpu.memory_space<hbm>>
    %dma_start3A_402 = arith.constant 0 : i32
    %dma_start3A_403 = arith.constant 0 : i32
    %dma_start3A_404 = tpu.memref_slice %arg6[%dma_start3A_402, %dma_start3A_403] : memref<128x16xf32, #tpu.memory_space<vmem>> -> memref<128x16xf32, #tpu.memory_space<vmem>>
    tpu.enqueue_dma source(%dma_start3A_404 : memref<128x16xf32, #tpu.memory_space<vmem>>) target(%dma_start3A_401 : memref<128x16xf32, #tpu.memory_space<hbm>>) target_semaphore(%arg10 : memref<!tpu.dma_semaphore, #tpu.memory_space<semaphore_mem>>)
    %dma_wait3A_405 = arith.constant 0 : i32
    %dma_wait3A_406 = arith.constant 0 : i32
    %dma_wait3A_407 = tpu.memref_slice %arg6[%dma_wait3A_405, %dma_wait3A_406] : memref<128x16xf32, #tpu.memory_space<vmem>> -> memref<128x16xf32, #tpu.memory_space<vmem>>
    %dma_wait3A_408 = arith.constant 0 : i32
    %dma_wait3A_409 = tpu.memref_slice %arg4[%select_n3A, %add3A_392, %dma_wait3A_408] : memref<4x20032x16xf32, #tpu.memory_space<hbm>> -> memref<1x128x16xf32, #tpu.memory_space<hbm>>
    %dma_wait3A_410 = tpu.memref_squeeze %dma_wait3A_409 : memref<1x128x16xf32, #tpu.memory_space<hbm>> -> memref<128x16xf32, #tpu.memory_space<hbm>>
    %dma_wait3A_411 = arith.constant 0 : i32
    %dma_wait3A_412 = tpu.memref_slice %arg4[%select_n3A, %add3A_392, %dma_wait3A_411] : memref<4x20032x16xf32, #tpu.memory_space<hbm>> -> memref<1x128x16xf32, #tpu.memory_space<hbm>>
    %dma_wait3A_413 = tpu.memref_squeeze %dma_wait3A_412 : memref<1x128x16xf32, #tpu.memory_space<hbm>> -> memref<128x16xf32, #tpu.memory_space<hbm>>
    %dma_wait3A_414 = arith.constant 0 : i32
    %dma_wait3A_415 = arith.constant 0 : i32
    %dma_wait3A_416 = tpu.memref_slice %arg6[%dma_wait3A_414, %dma_wait3A_415] : memref<128x16xf32, #tpu.memory_space<vmem>> -> memref<128x16xf32, #tpu.memory_space<vmem>>
    tpu.wait_dma2 semaphore(%arg10 : memref<!tpu.dma_semaphore, #tpu.memory_space<semaphore_mem>>) src(%dma_wait3A_416 : memref<128x16xf32, #tpu.memory_space<vmem>>) dst(%dma_wait3A_413 : memref<128x16xf32, #tpu.memory_space<hbm>>)
    %dma_start3A_417 = arith.constant 0 : i32
    %dma_start3A_418 = arith.constant 0 : i32
    %dma_start3A_419 = tpu.memref_slice %arg6[%dma_start3A_417, %dma_start3A_418] : memref<128x16xf32, #tpu.memory_space<vmem>> -> memref<128x16xf32, #tpu.memory_space<vmem>>
    %dma_start3A_420 = arith.constant 1280 : i32
    %dma_start3A_421 = tpu.memref_slice %arg5[%dma_start3A_420] : memref<2504xi32, #tpu.memory_space<vmem>> -> memref<128xi32, #tpu.memory_space<vmem>>
    %dma_start3A_422 = arith.constant 0 : i32
    %dma_start3A_423 = arith.constant 0 : i32
    %dma_start3A_424 = tpu.memref_slice %arg2[%dma_start3A_422, %dma_start3A_423] : memref<20000x16xf32, #tpu.memory_space<hbm>> -> memref<20000x16xf32, #tpu.memory_space<hbm>>
    tpu.enqueue_indirect_dma source(%dma_start3A_424 : memref<20000x16xf32, #tpu.memory_space<hbm>>) target(%dma_start3A_419 : memref<128x16xf32, #tpu.memory_space<vmem>>) offsets(%dma_start3A_421 : memref<128xi32, #tpu.memory_space<vmem>>) semaphore(%arg8 : memref<!tpu.dma_semaphore, #tpu.memory_space<semaphore_mem>>)
    %dma_wait3A_425 = arith.constant 0 : i32
    %dma_wait3A_426 = arith.constant 0 : i32
    %dma_wait3A_427 = tpu.memref_slice %arg7[%dma_wait3A_425, %dma_wait3A_426] : memref<128x16xf32, #tpu.memory_space<vmem>> -> memref<128x16xf32, #tpu.memory_space<vmem>>
    %dma_wait3A_428 = arith.constant 1152 : i32
    %dma_wait3A_429 = tpu.memref_slice %arg5[%dma_wait3A_428] : memref<2504xi32, #tpu.memory_space<vmem>> -> memref<128xi32, #tpu.memory_space<vmem>>
    %dma_wait3A_430 = arith.constant 0 : i32
    %dma_wait3A_431 = arith.constant 0 : i32
    %dma_wait3A_432 = tpu.memref_slice %arg2[%dma_wait3A_430, %dma_wait3A_431] : memref<20000x16xf32, #tpu.memory_space<hbm>> -> memref<20000x16xf32, #tpu.memory_space<hbm>>
    tpu.wait_indirect_dma semaphore(%arg9 : memref<!tpu.dma_semaphore, #tpu.memory_space<semaphore_mem>>) src(%dma_wait3A_432 : memref<20000x16xf32, #tpu.memory_space<hbm>>) dst(%dma_wait3A_427 : memref<128x16xf32, #tpu.memory_space<vmem>>)
    %add3A_433 = arith.constant 1152 : i32
    %add3A_434 = arith.addi %mul3A_32, %add3A_433 : i32
    %dma_start3A_435 = arith.constant 0 : i32
    %dma_start3A_436 = arith.constant 0 : i32
    %dma_start3A_437 = tpu.memref_slice %arg7[%dma_start3A_435, %dma_start3A_436] : memref<128x16xf32, #tpu.memory_space<vmem>> -> memref<128x16xf32, #tpu.memory_space<vmem>>
    %dma_start3A_438 = arith.constant 0 : i32
    %dma_start3A_439 = tpu.memref_slice %arg4[%select_n3A, %add3A_434, %dma_start3A_438] : memref<4x20032x16xf32, #tpu.memory_space<hbm>> -> memref<1x128x16xf32, #tpu.memory_space<hbm>>
    %dma_start3A_440 = tpu.memref_squeeze %dma_start3A_439 : memref<1x128x16xf32, #tpu.memory_space<hbm>> -> memref<128x16xf32, #tpu.memory_space<hbm>>
    %dma_start3A_441 = arith.constant 0 : i32
    %dma_start3A_442 = tpu.memref_slice %arg4[%select_n3A, %add3A_434, %dma_start3A_441] : memref<4x20032x16xf32, #tpu.memory_space<hbm>> -> memref<1x128x16xf32, #tpu.memory_space<hbm>>
    %dma_start3A_443 = tpu.memref_squeeze %dma_start3A_442 : memref<1x128x16xf32, #tpu.memory_space<hbm>> -> memref<128x16xf32, #tpu.memory_space<hbm>>
    %dma_start3A_444 = arith.constant 0 : i32
    %dma_start3A_445 = arith.constant 0 : i32
    %dma_start3A_446 = tpu.memref_slice %arg7[%dma_start3A_444, %dma_start3A_445] : memref<128x16xf32, #tpu.memory_space<vmem>> -> memref<128x16xf32, #tpu.memory_space<vmem>>
    tpu.enqueue_dma source(%dma_start3A_446 : memref<128x16xf32, #tpu.memory_space<vmem>>) target(%dma_start3A_443 : memref<128x16xf32, #tpu.memory_space<hbm>>) target_semaphore(%arg11 : memref<!tpu.dma_semaphore, #tpu.memory_space<semaphore_mem>>)
    %dma_wait3A_447 = arith.constant 0 : i32
    %dma_wait3A_448 = arith.constant 0 : i32
    %dma_wait3A_449 = tpu.memref_slice %arg7[%dma_wait3A_447, %dma_wait3A_448] : memref<128x16xf32, #tpu.memory_space<vmem>> -> memref<128x16xf32, #tpu.memory_space<vmem>>
    %dma_wait3A_450 = arith.constant 0 : i32
    %dma_wait3A_451 = tpu.memref_slice %arg4[%select_n3A, %add3A_434, %dma_wait3A_450] : memref<4x20032x16xf32, #tpu.memory_space<hbm>> -> memref<1x128x16xf32, #tpu.memory_space<hbm>>
    %dma_wait3A_452 = tpu.memref_squeeze %dma_wait3A_451 : memref<1x128x16xf32, #tpu.memory_space<hbm>> -> memref<128x16xf32, #tpu.memory_space<hbm>>
    %dma_wait3A_453 = arith.constant 0 : i32
    %dma_wait3A_454 = tpu.memref_slice %arg4[%select_n3A, %add3A_434, %dma_wait3A_453] : memref<4x20032x16xf32, #tpu.memory_space<hbm>> -> memref<1x128x16xf32, #tpu.memory_space<hbm>>
    %dma_wait3A_455 = tpu.memref_squeeze %dma_wait3A_454 : memref<1x128x16xf32, #tpu.memory_space<hbm>> -> memref<128x16xf32, #tpu.memory_space<hbm>>
    %dma_wait3A_456 = arith.constant 0 : i32
    %dma_wait3A_457 = arith.constant 0 : i32
    %dma_wait3A_458 = tpu.memref_slice %arg7[%dma_wait3A_456, %dma_wait3A_457] : memref<128x16xf32, #tpu.memory_space<vmem>> -> memref<128x16xf32, #tpu.memory_space<vmem>>
    tpu.wait_dma2 semaphore(%arg11 : memref<!tpu.dma_semaphore, #tpu.memory_space<semaphore_mem>>) src(%dma_wait3A_458 : memref<128x16xf32, #tpu.memory_space<vmem>>) dst(%dma_wait3A_455 : memref<128x16xf32, #tpu.memory_space<hbm>>)
    %dma_start3A_459 = arith.constant 0 : i32
    %dma_start3A_460 = arith.constant 0 : i32
    %dma_start3A_461 = tpu.memref_slice %arg7[%dma_start3A_459, %dma_start3A_460] : memref<128x16xf32, #tpu.memory_space<vmem>> -> memref<128x16xf32, #tpu.memory_space<vmem>>
    %dma_start3A_462 = arith.constant 1408 : i32
    %dma_start3A_463 = tpu.memref_slice %arg5[%dma_start3A_462] : memref<2504xi32, #tpu.memory_space<vmem>> -> memref<128xi32, #tpu.memory_space<vmem>>
    %dma_start3A_464 = arith.constant 0 : i32
    %dma_start3A_465 = arith.constant 0 : i32
    %dma_start3A_466 = tpu.memref_slice %arg2[%dma_start3A_464, %dma_start3A_465] : memref<20000x16xf32, #tpu.memory_space<hbm>> -> memref<20000x16xf32, #tpu.memory_space<hbm>>
    tpu.enqueue_indirect_dma source(%dma_start3A_466 : memref<20000x16xf32, #tpu.memory_space<hbm>>) target(%dma_start3A_461 : memref<128x16xf32, #tpu.memory_space<vmem>>) offsets(%dma_start3A_463 : memref<128xi32, #tpu.memory_space<vmem>>) semaphore(%arg9 : memref<!tpu.dma_semaphore, #tpu.memory_space<semaphore_mem>>)
    %dma_wait3A_467 = arith.constant 0 : i32
    %dma_wait3A_468 = arith.constant 0 : i32
    %dma_wait3A_469 = tpu.memref_slice %arg6[%dma_wait3A_467, %dma_wait3A_468] : memref<128x16xf32, #tpu.memory_space<vmem>> -> memref<128x16xf32, #tpu.memory_space<vmem>>
    %dma_wait3A_470 = arith.constant 1280 : i32
    %dma_wait3A_471 = tpu.memref_slice %arg5[%dma_wait3A_470] : memref<2504xi32, #tpu.memory_space<vmem>> -> memref<128xi32, #tpu.memory_space<vmem>>
    %dma_wait3A_472 = arith.constant 0 : i32
    %dma_wait3A_473 = arith.constant 0 : i32
    %dma_wait3A_474 = tpu.memref_slice %arg2[%dma_wait3A_472, %dma_wait3A_473] : memref<20000x16xf32, #tpu.memory_space<hbm>> -> memref<20000x16xf32, #tpu.memory_space<hbm>>
    tpu.wait_indirect_dma semaphore(%arg8 : memref<!tpu.dma_semaphore, #tpu.memory_space<semaphore_mem>>) src(%dma_wait3A_474 : memref<20000x16xf32, #tpu.memory_space<hbm>>) dst(%dma_wait3A_469 : memref<128x16xf32, #tpu.memory_space<vmem>>)
    %add3A_475 = arith.constant 1280 : i32
    %add3A_476 = arith.addi %mul3A_32, %add3A_475 : i32
    %dma_start3A_477 = arith.constant 0 : i32
    %dma_start3A_478 = arith.constant 0 : i32
    %dma_start3A_479 = tpu.memref_slice %arg6[%dma_start3A_477, %dma_start3A_478] : memref<128x16xf32, #tpu.memory_space<vmem>> -> memref<128x16xf32, #tpu.memory_space<vmem>>
    %dma_start3A_480 = arith.constant 0 : i32
    %dma_start3A_481 = tpu.memref_slice %arg4[%select_n3A, %add3A_476, %dma_start3A_480] : memref<4x20032x16xf32, #tpu.memory_space<hbm>> -> memref<1x128x16xf32, #tpu.memory_space<hbm>>
    %dma_start3A_482 = tpu.memref_squeeze %dma_start3A_481 : memref<1x128x16xf32, #tpu.memory_space<hbm>> -> memref<128x16xf32, #tpu.memory_space<hbm>>
    %dma_start3A_483 = arith.constant 0 : i32
    %dma_start3A_484 = tpu.memref_slice %arg4[%select_n3A, %add3A_476, %dma_start3A_483] : memref<4x20032x16xf32, #tpu.memory_space<hbm>> -> memref<1x128x16xf32, #tpu.memory_space<hbm>>
    %dma_start3A_485 = tpu.memref_squeeze %dma_start3A_484 : memref<1x128x16xf32, #tpu.memory_space<hbm>> -> memref<128x16xf32, #tpu.memory_space<hbm>>
    %dma_start3A_486 = arith.constant 0 : i32
    %dma_start3A_487 = arith.constant 0 : i32
    %dma_start3A_488 = tpu.memref_slice %arg6[%dma_start3A_486, %dma_start3A_487] : memref<128x16xf32, #tpu.memory_space<vmem>> -> memref<128x16xf32, #tpu.memory_space<vmem>>
    tpu.enqueue_dma source(%dma_start3A_488 : memref<128x16xf32, #tpu.memory_space<vmem>>) target(%dma_start3A_485 : memref<128x16xf32, #tpu.memory_space<hbm>>) target_semaphore(%arg10 : memref<!tpu.dma_semaphore, #tpu.memory_space<semaphore_mem>>)
    %dma_wait3A_489 = arith.constant 0 : i32
    %dma_wait3A_490 = arith.constant 0 : i32
    %dma_wait3A_491 = tpu.memref_slice %arg6[%dma_wait3A_489, %dma_wait3A_490] : memref<128x16xf32, #tpu.memory_space<vmem>> -> memref<128x16xf32, #tpu.memory_space<vmem>>
    %dma_wait3A_492 = arith.constant 0 : i32
    %dma_wait3A_493 = tpu.memref_slice %arg4[%select_n3A, %add3A_476, %dma_wait3A_492] : memref<4x20032x16xf32, #tpu.memory_space<hbm>> -> memref<1x128x16xf32, #tpu.memory_space<hbm>>
    %dma_wait3A_494 = tpu.memref_squeeze %dma_wait3A_493 : memref<1x128x16xf32, #tpu.memory_space<hbm>> -> memref<128x16xf32, #tpu.memory_space<hbm>>
    %dma_wait3A_495 = arith.constant 0 : i32
    %dma_wait3A_496 = tpu.memref_slice %arg4[%select_n3A, %add3A_476, %dma_wait3A_495] : memref<4x20032x16xf32, #tpu.memory_space<hbm>> -> memref<1x128x16xf32, #tpu.memory_space<hbm>>
    %dma_wait3A_497 = tpu.memref_squeeze %dma_wait3A_496 : memref<1x128x16xf32, #tpu.memory_space<hbm>> -> memref<128x16xf32, #tpu.memory_space<hbm>>
    %dma_wait3A_498 = arith.constant 0 : i32
    %dma_wait3A_499 = arith.constant 0 : i32
    %dma_wait3A_500 = tpu.memref_slice %arg6[%dma_wait3A_498, %dma_wait3A_499] : memref<128x16xf32, #tpu.memory_space<vmem>> -> memref<128x16xf32, #tpu.memory_space<vmem>>
    tpu.wait_dma2 semaphore(%arg10 : memref<!tpu.dma_semaphore, #tpu.memory_space<semaphore_mem>>) src(%dma_wait3A_500 : memref<128x16xf32, #tpu.memory_space<vmem>>) dst(%dma_wait3A_497 : memref<128x16xf32, #tpu.memory_space<hbm>>)
    %dma_start3A_501 = arith.constant 0 : i32
    %dma_start3A_502 = arith.constant 0 : i32
    %dma_start3A_503 = tpu.memref_slice %arg6[%dma_start3A_501, %dma_start3A_502] : memref<128x16xf32, #tpu.memory_space<vmem>> -> memref<128x16xf32, #tpu.memory_space<vmem>>
    %dma_start3A_504 = arith.constant 1536 : i32
    %dma_start3A_505 = tpu.memref_slice %arg5[%dma_start3A_504] : memref<2504xi32, #tpu.memory_space<vmem>> -> memref<128xi32, #tpu.memory_space<vmem>>
    %dma_start3A_506 = arith.constant 0 : i32
    %dma_start3A_507 = arith.constant 0 : i32
    %dma_start3A_508 = tpu.memref_slice %arg2[%dma_start3A_506, %dma_start3A_507] : memref<20000x16xf32, #tpu.memory_space<hbm>> -> memref<20000x16xf32, #tpu.memory_space<hbm>>
    tpu.enqueue_indirect_dma source(%dma_start3A_508 : memref<20000x16xf32, #tpu.memory_space<hbm>>) target(%dma_start3A_503 : memref<128x16xf32, #tpu.memory_space<vmem>>) offsets(%dma_start3A_505 : memref<128xi32, #tpu.memory_space<vmem>>) semaphore(%arg8 : memref<!tpu.dma_semaphore, #tpu.memory_space<semaphore_mem>>)
    %dma_wait3A_509 = arith.constant 0 : i32
    %dma_wait3A_510 = arith.constant 0 : i32
    %dma_wait3A_511 = tpu.memref_slice %arg7[%dma_wait3A_509, %dma_wait3A_510] : memref<128x16xf32, #tpu.memory_space<vmem>> -> memref<128x16xf32, #tpu.memory_space<vmem>>
    %dma_wait3A_512 = arith.constant 1408 : i32
    %dma_wait3A_513 = tpu.memref_slice %arg5[%dma_wait3A_512] : memref<2504xi32, #tpu.memory_space<vmem>> -> memref<128xi32, #tpu.memory_space<vmem>>
    %dma_wait3A_514 = arith.constant 0 : i32
    %dma_wait3A_515 = arith.constant 0 : i32
    %dma_wait3A_516 = tpu.memref_slice %arg2[%dma_wait3A_514, %dma_wait3A_515] : memref<20000x16xf32, #tpu.memory_space<hbm>> -> memref<20000x16xf32, #tpu.memory_space<hbm>>
    tpu.wait_indirect_dma semaphore(%arg9 : memref<!tpu.dma_semaphore, #tpu.memory_space<semaphore_mem>>) src(%dma_wait3A_516 : memref<20000x16xf32, #tpu.memory_space<hbm>>) dst(%dma_wait3A_511 : memref<128x16xf32, #tpu.memory_space<vmem>>)
    %add3A_517 = arith.constant 1408 : i32
    %add3A_518 = arith.addi %mul3A_32, %add3A_517 : i32
    %dma_start3A_519 = arith.constant 0 : i32
    %dma_start3A_520 = arith.constant 0 : i32
    %dma_start3A_521 = tpu.memref_slice %arg7[%dma_start3A_519, %dma_start3A_520] : memref<128x16xf32, #tpu.memory_space<vmem>> -> memref<128x16xf32, #tpu.memory_space<vmem>>
    %dma_start3A_522 = arith.constant 0 : i32
    %dma_start3A_523 = tpu.memref_slice %arg4[%select_n3A, %add3A_518, %dma_start3A_522] : memref<4x20032x16xf32, #tpu.memory_space<hbm>> -> memref<1x128x16xf32, #tpu.memory_space<hbm>>
    %dma_start3A_524 = tpu.memref_squeeze %dma_start3A_523 : memref<1x128x16xf32, #tpu.memory_space<hbm>> -> memref<128x16xf32, #tpu.memory_space<hbm>>
    %dma_start3A_525 = arith.constant 0 : i32
    %dma_start3A_526 = tpu.memref_slice %arg4[%select_n3A, %add3A_518, %dma_start3A_525] : memref<4x20032x16xf32, #tpu.memory_space<hbm>> -> memref<1x128x16xf32, #tpu.memory_space<hbm>>
    %dma_start3A_527 = tpu.memref_squeeze %dma_start3A_526 : memref<1x128x16xf32, #tpu.memory_space<hbm>> -> memref<128x16xf32, #tpu.memory_space<hbm>>
    %dma_start3A_528 = arith.constant 0 : i32
    %dma_start3A_529 = arith.constant 0 : i32
    %dma_start3A_530 = tpu.memref_slice %arg7[%dma_start3A_528, %dma_start3A_529] : memref<128x16xf32, #tpu.memory_space<vmem>> -> memref<128x16xf32, #tpu.memory_space<vmem>>
    tpu.enqueue_dma source(%dma_start3A_530 : memref<128x16xf32, #tpu.memory_space<vmem>>) target(%dma_start3A_527 : memref<128x16xf32, #tpu.memory_space<hbm>>) target_semaphore(%arg11 : memref<!tpu.dma_semaphore, #tpu.memory_space<semaphore_mem>>)
    %dma_wait3A_531 = arith.constant 0 : i32
    %dma_wait3A_532 = arith.constant 0 : i32
    %dma_wait3A_533 = tpu.memref_slice %arg7[%dma_wait3A_531, %dma_wait3A_532] : memref<128x16xf32, #tpu.memory_space<vmem>> -> memref<128x16xf32, #tpu.memory_space<vmem>>
    %dma_wait3A_534 = arith.constant 0 : i32
    %dma_wait3A_535 = tpu.memref_slice %arg4[%select_n3A, %add3A_518, %dma_wait3A_534] : memref<4x20032x16xf32, #tpu.memory_space<hbm>> -> memref<1x128x16xf32, #tpu.memory_space<hbm>>
    %dma_wait3A_536 = tpu.memref_squeeze %dma_wait3A_535 : memref<1x128x16xf32, #tpu.memory_space<hbm>> -> memref<128x16xf32, #tpu.memory_space<hbm>>
    %dma_wait3A_537 = arith.constant 0 : i32
    %dma_wait3A_538 = tpu.memref_slice %arg4[%select_n3A, %add3A_518, %dma_wait3A_537] : memref<4x20032x16xf32, #tpu.memory_space<hbm>> -> memref<1x128x16xf32, #tpu.memory_space<hbm>>
    %dma_wait3A_539 = tpu.memref_squeeze %dma_wait3A_538 : memref<1x128x16xf32, #tpu.memory_space<hbm>> -> memref<128x16xf32, #tpu.memory_space<hbm>>
    %dma_wait3A_540 = arith.constant 0 : i32
    %dma_wait3A_541 = arith.constant 0 : i32
    %dma_wait3A_542 = tpu.memref_slice %arg7[%dma_wait3A_540, %dma_wait3A_541] : memref<128x16xf32, #tpu.memory_space<vmem>> -> memref<128x16xf32, #tpu.memory_space<vmem>>
    tpu.wait_dma2 semaphore(%arg11 : memref<!tpu.dma_semaphore, #tpu.memory_space<semaphore_mem>>) src(%dma_wait3A_542 : memref<128x16xf32, #tpu.memory_space<vmem>>) dst(%dma_wait3A_539 : memref<128x16xf32, #tpu.memory_space<hbm>>)
    %dma_start3A_543 = arith.constant 0 : i32
    %dma_start3A_544 = arith.constant 0 : i32
    %dma_start3A_545 = tpu.memref_slice %arg7[%dma_start3A_543, %dma_start3A_544] : memref<128x16xf32, #tpu.memory_space<vmem>> -> memref<128x16xf32, #tpu.memory_space<vmem>>
    %dma_start3A_546 = arith.constant 1664 : i32
    %dma_start3A_547 = tpu.memref_slice %arg5[%dma_start3A_546] : memref<2504xi32, #tpu.memory_space<vmem>> -> memref<128xi32, #tpu.memory_space<vmem>>
    %dma_start3A_548 = arith.constant 0 : i32
    %dma_start3A_549 = arith.constant 0 : i32
    %dma_start3A_550 = tpu.memref_slice %arg2[%dma_start3A_548, %dma_start3A_549] : memref<20000x16xf32, #tpu.memory_space<hbm>> -> memref<20000x16xf32, #tpu.memory_space<hbm>>
    tpu.enqueue_indirect_dma source(%dma_start3A_550 : memref<20000x16xf32, #tpu.memory_space<hbm>>) target(%dma_start3A_545 : memref<128x16xf32, #tpu.memory_space<vmem>>) offsets(%dma_start3A_547 : memref<128xi32, #tpu.memory_space<vmem>>) semaphore(%arg9 : memref<!tpu.dma_semaphore, #tpu.memory_space<semaphore_mem>>)
    %dma_wait3A_551 = arith.constant 0 : i32
    %dma_wait3A_552 = arith.constant 0 : i32
    %dma_wait3A_553 = tpu.memref_slice %arg6[%dma_wait3A_551, %dma_wait3A_552] : memref<128x16xf32, #tpu.memory_space<vmem>> -> memref<128x16xf32, #tpu.memory_space<vmem>>
    %dma_wait3A_554 = arith.constant 1536 : i32
    %dma_wait3A_555 = tpu.memref_slice %arg5[%dma_wait3A_554] : memref<2504xi32, #tpu.memory_space<vmem>> -> memref<128xi32, #tpu.memory_space<vmem>>
    %dma_wait3A_556 = arith.constant 0 : i32
    %dma_wait3A_557 = arith.constant 0 : i32
    %dma_wait3A_558 = tpu.memref_slice %arg2[%dma_wait3A_556, %dma_wait3A_557] : memref<20000x16xf32, #tpu.memory_space<hbm>> -> memref<20000x16xf32, #tpu.memory_space<hbm>>
    tpu.wait_indirect_dma semaphore(%arg8 : memref<!tpu.dma_semaphore, #tpu.memory_space<semaphore_mem>>) src(%dma_wait3A_558 : memref<20000x16xf32, #tpu.memory_space<hbm>>) dst(%dma_wait3A_553 : memref<128x16xf32, #tpu.memory_space<vmem>>)
    %add3A_559 = arith.constant 1536 : i32
    %add3A_560 = arith.addi %mul3A_32, %add3A_559 : i32
    %dma_start3A_561 = arith.constant 0 : i32
    %dma_start3A_562 = arith.constant 0 : i32
    %dma_start3A_563 = tpu.memref_slice %arg6[%dma_start3A_561, %dma_start3A_562] : memref<128x16xf32, #tpu.memory_space<vmem>> -> memref<128x16xf32, #tpu.memory_space<vmem>>
    %dma_start3A_564 = arith.constant 0 : i32
    %dma_start3A_565 = tpu.memref_slice %arg4[%select_n3A, %add3A_560, %dma_start3A_564] : memref<4x20032x16xf32, #tpu.memory_space<hbm>> -> memref<1x128x16xf32, #tpu.memory_space<hbm>>
    %dma_start3A_566 = tpu.memref_squeeze %dma_start3A_565 : memref<1x128x16xf32, #tpu.memory_space<hbm>> -> memref<128x16xf32, #tpu.memory_space<hbm>>
    %dma_start3A_567 = arith.constant 0 : i32
    %dma_start3A_568 = tpu.memref_slice %arg4[%select_n3A, %add3A_560, %dma_start3A_567] : memref<4x20032x16xf32, #tpu.memory_space<hbm>> -> memref<1x128x16xf32, #tpu.memory_space<hbm>>
    %dma_start3A_569 = tpu.memref_squeeze %dma_start3A_568 : memref<1x128x16xf32, #tpu.memory_space<hbm>> -> memref<128x16xf32, #tpu.memory_space<hbm>>
    %dma_start3A_570 = arith.constant 0 : i32
    %dma_start3A_571 = arith.constant 0 : i32
    %dma_start3A_572 = tpu.memref_slice %arg6[%dma_start3A_570, %dma_start3A_571] : memref<128x16xf32, #tpu.memory_space<vmem>> -> memref<128x16xf32, #tpu.memory_space<vmem>>
    tpu.enqueue_dma source(%dma_start3A_572 : memref<128x16xf32, #tpu.memory_space<vmem>>) target(%dma_start3A_569 : memref<128x16xf32, #tpu.memory_space<hbm>>) target_semaphore(%arg10 : memref<!tpu.dma_semaphore, #tpu.memory_space<semaphore_mem>>)
    %dma_wait3A_573 = arith.constant 0 : i32
    %dma_wait3A_574 = arith.constant 0 : i32
    %dma_wait3A_575 = tpu.memref_slice %arg6[%dma_wait3A_573, %dma_wait3A_574] : memref<128x16xf32, #tpu.memory_space<vmem>> -> memref<128x16xf32, #tpu.memory_space<vmem>>
    %dma_wait3A_576 = arith.constant 0 : i32
    %dma_wait3A_577 = tpu.memref_slice %arg4[%select_n3A, %add3A_560, %dma_wait3A_576] : memref<4x20032x16xf32, #tpu.memory_space<hbm>> -> memref<1x128x16xf32, #tpu.memory_space<hbm>>
    %dma_wait3A_578 = tpu.memref_squeeze %dma_wait3A_577 : memref<1x128x16xf32, #tpu.memory_space<hbm>> -> memref<128x16xf32, #tpu.memory_space<hbm>>
    %dma_wait3A_579 = arith.constant 0 : i32
    %dma_wait3A_580 = tpu.memref_slice %arg4[%select_n3A, %add3A_560, %dma_wait3A_579] : memref<4x20032x16xf32, #tpu.memory_space<hbm>> -> memref<1x128x16xf32, #tpu.memory_space<hbm>>
    %dma_wait3A_581 = tpu.memref_squeeze %dma_wait3A_580 : memref<1x128x16xf32, #tpu.memory_space<hbm>> -> memref<128x16xf32, #tpu.memory_space<hbm>>
    %dma_wait3A_582 = arith.constant 0 : i32
    %dma_wait3A_583 = arith.constant 0 : i32
    %dma_wait3A_584 = tpu.memref_slice %arg6[%dma_wait3A_582, %dma_wait3A_583] : memref<128x16xf32, #tpu.memory_space<vmem>> -> memref<128x16xf32, #tpu.memory_space<vmem>>
    tpu.wait_dma2 semaphore(%arg10 : memref<!tpu.dma_semaphore, #tpu.memory_space<semaphore_mem>>) src(%dma_wait3A_584 : memref<128x16xf32, #tpu.memory_space<vmem>>) dst(%dma_wait3A_581 : memref<128x16xf32, #tpu.memory_space<hbm>>)
    %dma_start3A_585 = arith.constant 0 : i32
    %dma_start3A_586 = arith.constant 0 : i32
    %dma_start3A_587 = tpu.memref_slice %arg6[%dma_start3A_585, %dma_start3A_586] : memref<128x16xf32, #tpu.memory_space<vmem>> -> memref<128x16xf32, #tpu.memory_space<vmem>>
    %dma_start3A_588 = arith.constant 1792 : i32
    %dma_start3A_589 = tpu.memref_slice %arg5[%dma_start3A_588] : memref<2504xi32, #tpu.memory_space<vmem>> -> memref<128xi32, #tpu.memory_space<vmem>>
    %dma_start3A_590 = arith.constant 0 : i32
    %dma_start3A_591 = arith.constant 0 : i32
    %dma_start3A_592 = tpu.memref_slice %arg2[%dma_start3A_590, %dma_start3A_591] : memref<20000x16xf32, #tpu.memory_space<hbm>> -> memref<20000x16xf32, #tpu.memory_space<hbm>>
    tpu.enqueue_indirect_dma source(%dma_start3A_592 : memref<20000x16xf32, #tpu.memory_space<hbm>>) target(%dma_start3A_587 : memref<128x16xf32, #tpu.memory_space<vmem>>) offsets(%dma_start3A_589 : memref<128xi32, #tpu.memory_space<vmem>>) semaphore(%arg8 : memref<!tpu.dma_semaphore, #tpu.memory_space<semaphore_mem>>)
    %dma_wait3A_593 = arith.constant 0 : i32
    %dma_wait3A_594 = arith.constant 0 : i32
    %dma_wait3A_595 = tpu.memref_slice %arg7[%dma_wait3A_593, %dma_wait3A_594] : memref<128x16xf32, #tpu.memory_space<vmem>> -> memref<128x16xf32, #tpu.memory_space<vmem>>
    %dma_wait3A_596 = arith.constant 1664 : i32
    %dma_wait3A_597 = tpu.memref_slice %arg5[%dma_wait3A_596] : memref<2504xi32, #tpu.memory_space<vmem>> -> memref<128xi32, #tpu.memory_space<vmem>>
    %dma_wait3A_598 = arith.constant 0 : i32
    %dma_wait3A_599 = arith.constant 0 : i32
    %dma_wait3A_600 = tpu.memref_slice %arg2[%dma_wait3A_598, %dma_wait3A_599] : memref<20000x16xf32, #tpu.memory_space<hbm>> -> memref<20000x16xf32, #tpu.memory_space<hbm>>
    tpu.wait_indirect_dma semaphore(%arg9 : memref<!tpu.dma_semaphore, #tpu.memory_space<semaphore_mem>>) src(%dma_wait3A_600 : memref<20000x16xf32, #tpu.memory_space<hbm>>) dst(%dma_wait3A_595 : memref<128x16xf32, #tpu.memory_space<vmem>>)
    %add3A_601 = arith.constant 1664 : i32
    %add3A_602 = arith.addi %mul3A_32, %add3A_601 : i32
    %dma_start3A_603 = arith.constant 0 : i32
    %dma_start3A_604 = arith.constant 0 : i32
    %dma_start3A_605 = tpu.memref_slice %arg7[%dma_start3A_603, %dma_start3A_604] : memref<128x16xf32, #tpu.memory_space<vmem>> -> memref<128x16xf32, #tpu.memory_space<vmem>>
    %dma_start3A_606 = arith.constant 0 : i32
    %dma_start3A_607 = tpu.memref_slice %arg4[%select_n3A, %add3A_602, %dma_start3A_606] : memref<4x20032x16xf32, #tpu.memory_space<hbm>> -> memref<1x128x16xf32, #tpu.memory_space<hbm>>
    %dma_start3A_608 = tpu.memref_squeeze %dma_start3A_607 : memref<1x128x16xf32, #tpu.memory_space<hbm>> -> memref<128x16xf32, #tpu.memory_space<hbm>>
    %dma_start3A_609 = arith.constant 0 : i32
    %dma_start3A_610 = tpu.memref_slice %arg4[%select_n3A, %add3A_602, %dma_start3A_609] : memref<4x20032x16xf32, #tpu.memory_space<hbm>> -> memref<1x128x16xf32, #tpu.memory_space<hbm>>
    %dma_start3A_611 = tpu.memref_squeeze %dma_start3A_610 : memref<1x128x16xf32, #tpu.memory_space<hbm>> -> memref<128x16xf32, #tpu.memory_space<hbm>>
    %dma_start3A_612 = arith.constant 0 : i32
    %dma_start3A_613 = arith.constant 0 : i32
    %dma_start3A_614 = tpu.memref_slice %arg7[%dma_start3A_612, %dma_start3A_613] : memref<128x16xf32, #tpu.memory_space<vmem>> -> memref<128x16xf32, #tpu.memory_space<vmem>>
    tpu.enqueue_dma source(%dma_start3A_614 : memref<128x16xf32, #tpu.memory_space<vmem>>) target(%dma_start3A_611 : memref<128x16xf32, #tpu.memory_space<hbm>>) target_semaphore(%arg11 : memref<!tpu.dma_semaphore, #tpu.memory_space<semaphore_mem>>)
    %dma_wait3A_615 = arith.constant 0 : i32
    %dma_wait3A_616 = arith.constant 0 : i32
    %dma_wait3A_617 = tpu.memref_slice %arg7[%dma_wait3A_615, %dma_wait3A_616] : memref<128x16xf32, #tpu.memory_space<vmem>> -> memref<128x16xf32, #tpu.memory_space<vmem>>
    %dma_wait3A_618 = arith.constant 0 : i32
    %dma_wait3A_619 = tpu.memref_slice %arg4[%select_n3A, %add3A_602, %dma_wait3A_618] : memref<4x20032x16xf32, #tpu.memory_space<hbm>> -> memref<1x128x16xf32, #tpu.memory_space<hbm>>
    %dma_wait3A_620 = tpu.memref_squeeze %dma_wait3A_619 : memref<1x128x16xf32, #tpu.memory_space<hbm>> -> memref<128x16xf32, #tpu.memory_space<hbm>>
    %dma_wait3A_621 = arith.constant 0 : i32
    %dma_wait3A_622 = tpu.memref_slice %arg4[%select_n3A, %add3A_602, %dma_wait3A_621] : memref<4x20032x16xf32, #tpu.memory_space<hbm>> -> memref<1x128x16xf32, #tpu.memory_space<hbm>>
    %dma_wait3A_623 = tpu.memref_squeeze %dma_wait3A_622 : memref<1x128x16xf32, #tpu.memory_space<hbm>> -> memref<128x16xf32, #tpu.memory_space<hbm>>
    %dma_wait3A_624 = arith.constant 0 : i32
    %dma_wait3A_625 = arith.constant 0 : i32
    %dma_wait3A_626 = tpu.memref_slice %arg7[%dma_wait3A_624, %dma_wait3A_625] : memref<128x16xf32, #tpu.memory_space<vmem>> -> memref<128x16xf32, #tpu.memory_space<vmem>>
    tpu.wait_dma2 semaphore(%arg11 : memref<!tpu.dma_semaphore, #tpu.memory_space<semaphore_mem>>) src(%dma_wait3A_626 : memref<128x16xf32, #tpu.memory_space<vmem>>) dst(%dma_wait3A_623 : memref<128x16xf32, #tpu.memory_space<hbm>>)
    %dma_start3A_627 = arith.constant 0 : i32
    %dma_start3A_628 = arith.constant 0 : i32
    %dma_start3A_629 = tpu.memref_slice %arg7[%dma_start3A_627, %dma_start3A_628] : memref<128x16xf32, #tpu.memory_space<vmem>> -> memref<128x16xf32, #tpu.memory_space<vmem>>
    %dma_start3A_630 = arith.constant 1920 : i32
    %dma_start3A_631 = tpu.memref_slice %arg5[%dma_start3A_630] : memref<2504xi32, #tpu.memory_space<vmem>> -> memref<128xi32, #tpu.memory_space<vmem>>
    %dma_start3A_632 = arith.constant 0 : i32
    %dma_start3A_633 = arith.constant 0 : i32
    %dma_start3A_634 = tpu.memref_slice %arg2[%dma_start3A_632, %dma_start3A_633] : memref<20000x16xf32, #tpu.memory_space<hbm>> -> memref<20000x16xf32, #tpu.memory_space<hbm>>
    tpu.enqueue_indirect_dma source(%dma_start3A_634 : memref<20000x16xf32, #tpu.memory_space<hbm>>) target(%dma_start3A_629 : memref<128x16xf32, #tpu.memory_space<vmem>>) offsets(%dma_start3A_631 : memref<128xi32, #tpu.memory_space<vmem>>) semaphore(%arg9 : memref<!tpu.dma_semaphore, #tpu.memory_space<semaphore_mem>>)
    %dma_wait3A_635 = arith.constant 0 : i32
    %dma_wait3A_636 = arith.constant 0 : i32
    %dma_wait3A_637 = tpu.memref_slice %arg6[%dma_wait3A_635, %dma_wait3A_636] : memref<128x16xf32, #tpu.memory_space<vmem>> -> memref<128x16xf32, #tpu.memory_space<vmem>>
    %dma_wait3A_638 = arith.constant 1792 : i32
    %dma_wait3A_639 = tpu.memref_slice %arg5[%dma_wait3A_638] : memref<2504xi32, #tpu.memory_space<vmem>> -> memref<128xi32, #tpu.memory_space<vmem>>
    %dma_wait3A_640 = arith.constant 0 : i32
    %dma_wait3A_641 = arith.constant 0 : i32
    %dma_wait3A_642 = tpu.memref_slice %arg2[%dma_wait3A_640, %dma_wait3A_641] : memref<20000x16xf32, #tpu.memory_space<hbm>> -> memref<20000x16xf32, #tpu.memory_space<hbm>>
    tpu.wait_indirect_dma semaphore(%arg8 : memref<!tpu.dma_semaphore, #tpu.memory_space<semaphore_mem>>) src(%dma_wait3A_642 : memref<20000x16xf32, #tpu.memory_space<hbm>>) dst(%dma_wait3A_637 : memref<128x16xf32, #tpu.memory_space<vmem>>)
    %add3A_643 = arith.constant 1792 : i32
    %add3A_644 = arith.addi %mul3A_32, %add3A_643 : i32
    %dma_start3A_645 = arith.constant 0 : i32
    %dma_start3A_646 = arith.constant 0 : i32
    %dma_start3A_647 = tpu.memref_slice %arg6[%dma_start3A_645, %dma_start3A_646] : memref<128x16xf32, #tpu.memory_space<vmem>> -> memref<128x16xf32, #tpu.memory_space<vmem>>
    %dma_start3A_648 = arith.constant 0 : i32
    %dma_start3A_649 = tpu.memref_slice %arg4[%select_n3A, %add3A_644, %dma_start3A_648] : memref<4x20032x16xf32, #tpu.memory_space<hbm>> -> memref<1x128x16xf32, #tpu.memory_space<hbm>>
    %dma_start3A_650 = tpu.memref_squeeze %dma_start3A_649 : memref<1x128x16xf32, #tpu.memory_space<hbm>> -> memref<128x16xf32, #tpu.memory_space<hbm>>
    %dma_start3A_651 = arith.constant 0 : i32
    %dma_start3A_652 = tpu.memref_slice %arg4[%select_n3A, %add3A_644, %dma_start3A_651] : memref<4x20032x16xf32, #tpu.memory_space<hbm>> -> memref<1x128x16xf32, #tpu.memory_space<hbm>>
    %dma_start3A_653 = tpu.memref_squeeze %dma_start3A_652 : memref<1x128x16xf32, #tpu.memory_space<hbm>> -> memref<128x16xf32, #tpu.memory_space<hbm>>
    %dma_start3A_654 = arith.constant 0 : i32
    %dma_start3A_655 = arith.constant 0 : i32
    %dma_start3A_656 = tpu.memref_slice %arg6[%dma_start3A_654, %dma_start3A_655] : memref<128x16xf32, #tpu.memory_space<vmem>> -> memref<128x16xf32, #tpu.memory_space<vmem>>
    tpu.enqueue_dma source(%dma_start3A_656 : memref<128x16xf32, #tpu.memory_space<vmem>>) target(%dma_start3A_653 : memref<128x16xf32, #tpu.memory_space<hbm>>) target_semaphore(%arg10 : memref<!tpu.dma_semaphore, #tpu.memory_space<semaphore_mem>>)
    %dma_wait3A_657 = arith.constant 0 : i32
    %dma_wait3A_658 = arith.constant 0 : i32
    %dma_wait3A_659 = tpu.memref_slice %arg6[%dma_wait3A_657, %dma_wait3A_658] : memref<128x16xf32, #tpu.memory_space<vmem>> -> memref<128x16xf32, #tpu.memory_space<vmem>>
    %dma_wait3A_660 = arith.constant 0 : i32
    %dma_wait3A_661 = tpu.memref_slice %arg4[%select_n3A, %add3A_644, %dma_wait3A_660] : memref<4x20032x16xf32, #tpu.memory_space<hbm>> -> memref<1x128x16xf32, #tpu.memory_space<hbm>>
    %dma_wait3A_662 = tpu.memref_squeeze %dma_wait3A_661 : memref<1x128x16xf32, #tpu.memory_space<hbm>> -> memref<128x16xf32, #tpu.memory_space<hbm>>
    %dma_wait3A_663 = arith.constant 0 : i32
    %dma_wait3A_664 = tpu.memref_slice %arg4[%select_n3A, %add3A_644, %dma_wait3A_663] : memref<4x20032x16xf32, #tpu.memory_space<hbm>> -> memref<1x128x16xf32, #tpu.memory_space<hbm>>
    %dma_wait3A_665 = tpu.memref_squeeze %dma_wait3A_664 : memref<1x128x16xf32, #tpu.memory_space<hbm>> -> memref<128x16xf32, #tpu.memory_space<hbm>>
    %dma_wait3A_666 = arith.constant 0 : i32
    %dma_wait3A_667 = arith.constant 0 : i32
    %dma_wait3A_668 = tpu.memref_slice %arg6[%dma_wait3A_666, %dma_wait3A_667] : memref<128x16xf32, #tpu.memory_space<vmem>> -> memref<128x16xf32, #tpu.memory_space<vmem>>
    tpu.wait_dma2 semaphore(%arg10 : memref<!tpu.dma_semaphore, #tpu.memory_space<semaphore_mem>>) src(%dma_wait3A_668 : memref<128x16xf32, #tpu.memory_space<vmem>>) dst(%dma_wait3A_665 : memref<128x16xf32, #tpu.memory_space<hbm>>)
    %dma_start3A_669 = arith.constant 0 : i32
    %dma_start3A_670 = arith.constant 0 : i32
    %dma_start3A_671 = tpu.memref_slice %arg6[%dma_start3A_669, %dma_start3A_670] : memref<128x16xf32, #tpu.memory_space<vmem>> -> memref<128x16xf32, #tpu.memory_space<vmem>>
    %dma_start3A_672 = arith.constant 2048 : i32
    %dma_start3A_673 = tpu.memref_slice %arg5[%dma_start3A_672] : memref<2504xi32, #tpu.memory_space<vmem>> -> memref<128xi32, #tpu.memory_space<vmem>>
    %dma_start3A_674 = arith.constant 0 : i32
    %dma_start3A_675 = arith.constant 0 : i32
    %dma_start3A_676 = tpu.memref_slice %arg2[%dma_start3A_674, %dma_start3A_675] : memref<20000x16xf32, #tpu.memory_space<hbm>> -> memref<20000x16xf32, #tpu.memory_space<hbm>>
    tpu.enqueue_indirect_dma source(%dma_start3A_676 : memref<20000x16xf32, #tpu.memory_space<hbm>>) target(%dma_start3A_671 : memref<128x16xf32, #tpu.memory_space<vmem>>) offsets(%dma_start3A_673 : memref<128xi32, #tpu.memory_space<vmem>>) semaphore(%arg8 : memref<!tpu.dma_semaphore, #tpu.memory_space<semaphore_mem>>)
    %dma_wait3A_677 = arith.constant 0 : i32
    %dma_wait3A_678 = arith.constant 0 : i32
    %dma_wait3A_679 = tpu.memref_slice %arg7[%dma_wait3A_677, %dma_wait3A_678] : memref<128x16xf32, #tpu.memory_space<vmem>> -> memref<128x16xf32, #tpu.memory_space<vmem>>
    %dma_wait3A_680 = arith.constant 1920 : i32
    %dma_wait3A_681 = tpu.memref_slice %arg5[%dma_wait3A_680] : memref<2504xi32, #tpu.memory_space<vmem>> -> memref<128xi32, #tpu.memory_space<vmem>>
    %dma_wait3A_682 = arith.constant 0 : i32
    %dma_wait3A_683 = arith.constant 0 : i32
    %dma_wait3A_684 = tpu.memref_slice %arg2[%dma_wait3A_682, %dma_wait3A_683] : memref<20000x16xf32, #tpu.memory_space<hbm>> -> memref<20000x16xf32, #tpu.memory_space<hbm>>
    tpu.wait_indirect_dma semaphore(%arg9 : memref<!tpu.dma_semaphore, #tpu.memory_space<semaphore_mem>>) src(%dma_wait3A_684 : memref<20000x16xf32, #tpu.memory_space<hbm>>) dst(%dma_wait3A_679 : memref<128x16xf32, #tpu.memory_space<vmem>>)
    %add3A_685 = arith.constant 1920 : i32
    %add3A_686 = arith.addi %mul3A_32, %add3A_685 : i32
    %dma_start3A_687 = arith.constant 0 : i32
    %dma_start3A_688 = arith.constant 0 : i32
    %dma_start3A_689 = tpu.memref_slice %arg7[%dma_start3A_687, %dma_start3A_688] : memref<128x16xf32, #tpu.memory_space<vmem>> -> memref<128x16xf32, #tpu.memory_space<vmem>>
    %dma_start3A_690 = arith.constant 0 : i32
    %dma_start3A_691 = tpu.memref_slice %arg4[%select_n3A, %add3A_686, %dma_start3A_690] : memref<4x20032x16xf32, #tpu.memory_space<hbm>> -> memref<1x128x16xf32, #tpu.memory_space<hbm>>
    %dma_start3A_692 = tpu.memref_squeeze %dma_start3A_691 : memref<1x128x16xf32, #tpu.memory_space<hbm>> -> memref<128x16xf32, #tpu.memory_space<hbm>>
    %dma_start3A_693 = arith.constant 0 : i32
    %dma_start3A_694 = tpu.memref_slice %arg4[%select_n3A, %add3A_686, %dma_start3A_693] : memref<4x20032x16xf32, #tpu.memory_space<hbm>> -> memref<1x128x16xf32, #tpu.memory_space<hbm>>
    %dma_start3A_695 = tpu.memref_squeeze %dma_start3A_694 : memref<1x128x16xf32, #tpu.memory_space<hbm>> -> memref<128x16xf32, #tpu.memory_space<hbm>>
    %dma_start3A_696 = arith.constant 0 : i32
    %dma_start3A_697 = arith.constant 0 : i32
    %dma_start3A_698 = tpu.memref_slice %arg7[%dma_start3A_696, %dma_start3A_697] : memref<128x16xf32, #tpu.memory_space<vmem>> -> memref<128x16xf32, #tpu.memory_space<vmem>>
    tpu.enqueue_dma source(%dma_start3A_698 : memref<128x16xf32, #tpu.memory_space<vmem>>) target(%dma_start3A_695 : memref<128x16xf32, #tpu.memory_space<hbm>>) target_semaphore(%arg11 : memref<!tpu.dma_semaphore, #tpu.memory_space<semaphore_mem>>)
    %dma_wait3A_699 = arith.constant 0 : i32
    %dma_wait3A_700 = arith.constant 0 : i32
    %dma_wait3A_701 = tpu.memref_slice %arg7[%dma_wait3A_699, %dma_wait3A_700] : memref<128x16xf32, #tpu.memory_space<vmem>> -> memref<128x16xf32, #tpu.memory_space<vmem>>
    %dma_wait3A_702 = arith.constant 0 : i32
    %dma_wait3A_703 = tpu.memref_slice %arg4[%select_n3A, %add3A_686, %dma_wait3A_702] : memref<4x20032x16xf32, #tpu.memory_space<hbm>> -> memref<1x128x16xf32, #tpu.memory_space<hbm>>
    %dma_wait3A_704 = tpu.memref_squeeze %dma_wait3A_703 : memref<1x128x16xf32, #tpu.memory_space<hbm>> -> memref<128x16xf32, #tpu.memory_space<hbm>>
    %dma_wait3A_705 = arith.constant 0 : i32
    %dma_wait3A_706 = tpu.memref_slice %arg4[%select_n3A, %add3A_686, %dma_wait3A_705] : memref<4x20032x16xf32, #tpu.memory_space<hbm>> -> memref<1x128x16xf32, #tpu.memory_space<hbm>>
    %dma_wait3A_707 = tpu.memref_squeeze %dma_wait3A_706 : memref<1x128x16xf32, #tpu.memory_space<hbm>> -> memref<128x16xf32, #tpu.memory_space<hbm>>
    %dma_wait3A_708 = arith.constant 0 : i32
    %dma_wait3A_709 = arith.constant 0 : i32
    %dma_wait3A_710 = tpu.memref_slice %arg7[%dma_wait3A_708, %dma_wait3A_709] : memref<128x16xf32, #tpu.memory_space<vmem>> -> memref<128x16xf32, #tpu.memory_space<vmem>>
    tpu.wait_dma2 semaphore(%arg11 : memref<!tpu.dma_semaphore, #tpu.memory_space<semaphore_mem>>) src(%dma_wait3A_710 : memref<128x16xf32, #tpu.memory_space<vmem>>) dst(%dma_wait3A_707 : memref<128x16xf32, #tpu.memory_space<hbm>>)
    %dma_start3A_711 = arith.constant 0 : i32
    %dma_start3A_712 = arith.constant 0 : i32
    %dma_start3A_713 = tpu.memref_slice %arg7[%dma_start3A_711, %dma_start3A_712] : memref<128x16xf32, #tpu.memory_space<vmem>> -> memref<128x16xf32, #tpu.memory_space<vmem>>
    %dma_start3A_714 = arith.constant 2176 : i32
    %dma_start3A_715 = tpu.memref_slice %arg5[%dma_start3A_714] : memref<2504xi32, #tpu.memory_space<vmem>> -> memref<128xi32, #tpu.memory_space<vmem>>
    %dma_start3A_716 = arith.constant 0 : i32
    %dma_start3A_717 = arith.constant 0 : i32
    %dma_start3A_718 = tpu.memref_slice %arg2[%dma_start3A_716, %dma_start3A_717] : memref<20000x16xf32, #tpu.memory_space<hbm>> -> memref<20000x16xf32, #tpu.memory_space<hbm>>
    tpu.enqueue_indirect_dma source(%dma_start3A_718 : memref<20000x16xf32, #tpu.memory_space<hbm>>) target(%dma_start3A_713 : memref<128x16xf32, #tpu.memory_space<vmem>>) offsets(%dma_start3A_715 : memref<128xi32, #tpu.memory_space<vmem>>) semaphore(%arg9 : memref<!tpu.dma_semaphore, #tpu.memory_space<semaphore_mem>>)
    %dma_wait3A_719 = arith.constant 0 : i32
    %dma_wait3A_720 = arith.constant 0 : i32
    %dma_wait3A_721 = tpu.memref_slice %arg6[%dma_wait3A_719, %dma_wait3A_720] : memref<128x16xf32, #tpu.memory_space<vmem>> -> memref<128x16xf32, #tpu.memory_space<vmem>>
    %dma_wait3A_722 = arith.constant 2048 : i32
    %dma_wait3A_723 = tpu.memref_slice %arg5[%dma_wait3A_722] : memref<2504xi32, #tpu.memory_space<vmem>> -> memref<128xi32, #tpu.memory_space<vmem>>
    %dma_wait3A_724 = arith.constant 0 : i32
    %dma_wait3A_725 = arith.constant 0 : i32
    %dma_wait3A_726 = tpu.memref_slice %arg2[%dma_wait3A_724, %dma_wait3A_725] : memref<20000x16xf32, #tpu.memory_space<hbm>> -> memref<20000x16xf32, #tpu.memory_space<hbm>>
    tpu.wait_indirect_dma semaphore(%arg8 : memref<!tpu.dma_semaphore, #tpu.memory_space<semaphore_mem>>) src(%dma_wait3A_726 : memref<20000x16xf32, #tpu.memory_space<hbm>>) dst(%dma_wait3A_721 : memref<128x16xf32, #tpu.memory_space<vmem>>)
    %add3A_727 = arith.constant 2048 : i32
    %add3A_728 = arith.addi %mul3A_32, %add3A_727 : i32
    %dma_start3A_729 = arith.constant 0 : i32
    %dma_start3A_730 = arith.constant 0 : i32
    %dma_start3A_731 = tpu.memref_slice %arg6[%dma_start3A_729, %dma_start3A_730] : memref<128x16xf32, #tpu.memory_space<vmem>> -> memref<128x16xf32, #tpu.memory_space<vmem>>
    %dma_start3A_732 = arith.constant 0 : i32
    %dma_start3A_733 = tpu.memref_slice %arg4[%select_n3A, %add3A_728, %dma_start3A_732] : memref<4x20032x16xf32, #tpu.memory_space<hbm>> -> memref<1x128x16xf32, #tpu.memory_space<hbm>>
    %dma_start3A_734 = tpu.memref_squeeze %dma_start3A_733 : memref<1x128x16xf32, #tpu.memory_space<hbm>> -> memref<128x16xf32, #tpu.memory_space<hbm>>
    %dma_start3A_735 = arith.constant 0 : i32
    %dma_start3A_736 = tpu.memref_slice %arg4[%select_n3A, %add3A_728, %dma_start3A_735] : memref<4x20032x16xf32, #tpu.memory_space<hbm>> -> memref<1x128x16xf32, #tpu.memory_space<hbm>>
    %dma_start3A_737 = tpu.memref_squeeze %dma_start3A_736 : memref<1x128x16xf32, #tpu.memory_space<hbm>> -> memref<128x16xf32, #tpu.memory_space<hbm>>
    %dma_start3A_738 = arith.constant 0 : i32
    %dma_start3A_739 = arith.constant 0 : i32
    %dma_start3A_740 = tpu.memref_slice %arg6[%dma_start3A_738, %dma_start3A_739] : memref<128x16xf32, #tpu.memory_space<vmem>> -> memref<128x16xf32, #tpu.memory_space<vmem>>
    tpu.enqueue_dma source(%dma_start3A_740 : memref<128x16xf32, #tpu.memory_space<vmem>>) target(%dma_start3A_737 : memref<128x16xf32, #tpu.memory_space<hbm>>) target_semaphore(%arg10 : memref<!tpu.dma_semaphore, #tpu.memory_space<semaphore_mem>>)
    %dma_wait3A_741 = arith.constant 0 : i32
    %dma_wait3A_742 = arith.constant 0 : i32
    %dma_wait3A_743 = tpu.memref_slice %arg6[%dma_wait3A_741, %dma_wait3A_742] : memref<128x16xf32, #tpu.memory_space<vmem>> -> memref<128x16xf32, #tpu.memory_space<vmem>>
    %dma_wait3A_744 = arith.constant 0 : i32
    %dma_wait3A_745 = tpu.memref_slice %arg4[%select_n3A, %add3A_728, %dma_wait3A_744] : memref<4x20032x16xf32, #tpu.memory_space<hbm>> -> memref<1x128x16xf32, #tpu.memory_space<hbm>>
    %dma_wait3A_746 = tpu.memref_squeeze %dma_wait3A_745 : memref<1x128x16xf32, #tpu.memory_space<hbm>> -> memref<128x16xf32, #tpu.memory_space<hbm>>
    %dma_wait3A_747 = arith.constant 0 : i32
    %dma_wait3A_748 = tpu.memref_slice %arg4[%select_n3A, %add3A_728, %dma_wait3A_747] : memref<4x20032x16xf32, #tpu.memory_space<hbm>> -> memref<1x128x16xf32, #tpu.memory_space<hbm>>
    %dma_wait3A_749 = tpu.memref_squeeze %dma_wait3A_748 : memref<1x128x16xf32, #tpu.memory_space<hbm>> -> memref<128x16xf32, #tpu.memory_space<hbm>>
    %dma_wait3A_750 = arith.constant 0 : i32
    %dma_wait3A_751 = arith.constant 0 : i32
    %dma_wait3A_752 = tpu.memref_slice %arg6[%dma_wait3A_750, %dma_wait3A_751] : memref<128x16xf32, #tpu.memory_space<vmem>> -> memref<128x16xf32, #tpu.memory_space<vmem>>
    tpu.wait_dma2 semaphore(%arg10 : memref<!tpu.dma_semaphore, #tpu.memory_space<semaphore_mem>>) src(%dma_wait3A_752 : memref<128x16xf32, #tpu.memory_space<vmem>>) dst(%dma_wait3A_749 : memref<128x16xf32, #tpu.memory_space<hbm>>)
    %dma_start3A_753 = arith.constant 0 : i32
    %dma_start3A_754 = arith.constant 0 : i32
    %dma_start3A_755 = tpu.memref_slice %arg6[%dma_start3A_753, %dma_start3A_754] : memref<128x16xf32, #tpu.memory_space<vmem>> -> memref<128x16xf32, #tpu.memory_space<vmem>>
    %dma_start3A_756 = arith.constant 2304 : i32
    %dma_start3A_757 = tpu.memref_slice %arg5[%dma_start3A_756] : memref<2504xi32, #tpu.memory_space<vmem>> -> memref<128xi32, #tpu.memory_space<vmem>>
    %dma_start3A_758 = arith.constant 0 : i32
    %dma_start3A_759 = arith.constant 0 : i32
    %dma_start3A_760 = tpu.memref_slice %arg2[%dma_start3A_758, %dma_start3A_759] : memref<20000x16xf32, #tpu.memory_space<hbm>> -> memref<20000x16xf32, #tpu.memory_space<hbm>>
    tpu.enqueue_indirect_dma source(%dma_start3A_760 : memref<20000x16xf32, #tpu.memory_space<hbm>>) target(%dma_start3A_755 : memref<128x16xf32, #tpu.memory_space<vmem>>) offsets(%dma_start3A_757 : memref<128xi32, #tpu.memory_space<vmem>>) semaphore(%arg8 : memref<!tpu.dma_semaphore, #tpu.memory_space<semaphore_mem>>)
    %dma_wait3A_761 = arith.constant 0 : i32
    %dma_wait3A_762 = arith.constant 0 : i32
    %dma_wait3A_763 = tpu.memref_slice %arg7[%dma_wait3A_761, %dma_wait3A_762] : memref<128x16xf32, #tpu.memory_space<vmem>> -> memref<128x16xf32, #tpu.memory_space<vmem>>
    %dma_wait3A_764 = arith.constant 2176 : i32
    %dma_wait3A_765 = tpu.memref_slice %arg5[%dma_wait3A_764] : memref<2504xi32, #tpu.memory_space<vmem>> -> memref<128xi32, #tpu.memory_space<vmem>>
    %dma_wait3A_766 = arith.constant 0 : i32
    %dma_wait3A_767 = arith.constant 0 : i32
    %dma_wait3A_768 = tpu.memref_slice %arg2[%dma_wait3A_766, %dma_wait3A_767] : memref<20000x16xf32, #tpu.memory_space<hbm>> -> memref<20000x16xf32, #tpu.memory_space<hbm>>
    tpu.wait_indirect_dma semaphore(%arg9 : memref<!tpu.dma_semaphore, #tpu.memory_space<semaphore_mem>>) src(%dma_wait3A_768 : memref<20000x16xf32, #tpu.memory_space<hbm>>) dst(%dma_wait3A_763 : memref<128x16xf32, #tpu.memory_space<vmem>>)
    %add3A_769 = arith.constant 2176 : i32
    %add3A_770 = arith.addi %mul3A_32, %add3A_769 : i32
    %dma_start3A_771 = arith.constant 0 : i32
    %dma_start3A_772 = arith.constant 0 : i32
    %dma_start3A_773 = tpu.memref_slice %arg7[%dma_start3A_771, %dma_start3A_772] : memref<128x16xf32, #tpu.memory_space<vmem>> -> memref<128x16xf32, #tpu.memory_space<vmem>>
    %dma_start3A_774 = arith.constant 0 : i32
    %dma_start3A_775 = tpu.memref_slice %arg4[%select_n3A, %add3A_770, %dma_start3A_774] : memref<4x20032x16xf32, #tpu.memory_space<hbm>> -> memref<1x128x16xf32, #tpu.memory_space<hbm>>
    %dma_start3A_776 = tpu.memref_squeeze %dma_start3A_775 : memref<1x128x16xf32, #tpu.memory_space<hbm>> -> memref<128x16xf32, #tpu.memory_space<hbm>>
    %dma_start3A_777 = arith.constant 0 : i32
    %dma_start3A_778 = tpu.memref_slice %arg4[%select_n3A, %add3A_770, %dma_start3A_777] : memref<4x20032x16xf32, #tpu.memory_space<hbm>> -> memref<1x128x16xf32, #tpu.memory_space<hbm>>
    %dma_start3A_779 = tpu.memref_squeeze %dma_start3A_778 : memref<1x128x16xf32, #tpu.memory_space<hbm>> -> memref<128x16xf32, #tpu.memory_space<hbm>>
    %dma_start3A_780 = arith.constant 0 : i32
    %dma_start3A_781 = arith.constant 0 : i32
    %dma_start3A_782 = tpu.memref_slice %arg7[%dma_start3A_780, %dma_start3A_781] : memref<128x16xf32, #tpu.memory_space<vmem>> -> memref<128x16xf32, #tpu.memory_space<vmem>>
    tpu.enqueue_dma source(%dma_start3A_782 : memref<128x16xf32, #tpu.memory_space<vmem>>) target(%dma_start3A_779 : memref<128x16xf32, #tpu.memory_space<hbm>>) target_semaphore(%arg11 : memref<!tpu.dma_semaphore, #tpu.memory_space<semaphore_mem>>)
    %dma_wait3A_783 = arith.constant 0 : i32
    %dma_wait3A_784 = arith.constant 0 : i32
    %dma_wait3A_785 = tpu.memref_slice %arg7[%dma_wait3A_783, %dma_wait3A_784] : memref<128x16xf32, #tpu.memory_space<vmem>> -> memref<128x16xf32, #tpu.memory_space<vmem>>
    %dma_wait3A_786 = arith.constant 0 : i32
    %dma_wait3A_787 = tpu.memref_slice %arg4[%select_n3A, %add3A_770, %dma_wait3A_786] : memref<4x20032x16xf32, #tpu.memory_space<hbm>> -> memref<1x128x16xf32, #tpu.memory_space<hbm>>
    %dma_wait3A_788 = tpu.memref_squeeze %dma_wait3A_787 : memref<1x128x16xf32, #tpu.memory_space<hbm>> -> memref<128x16xf32, #tpu.memory_space<hbm>>
    %dma_wait3A_789 = arith.constant 0 : i32
    %dma_wait3A_790 = tpu.memref_slice %arg4[%select_n3A, %add3A_770, %dma_wait3A_789] : memref<4x20032x16xf32, #tpu.memory_space<hbm>> -> memref<1x128x16xf32, #tpu.memory_space<hbm>>
    %dma_wait3A_791 = tpu.memref_squeeze %dma_wait3A_790 : memref<1x128x16xf32, #tpu.memory_space<hbm>> -> memref<128x16xf32, #tpu.memory_space<hbm>>
    %dma_wait3A_792 = arith.constant 0 : i32
    %dma_wait3A_793 = arith.constant 0 : i32
    %dma_wait3A_794 = tpu.memref_slice %arg7[%dma_wait3A_792, %dma_wait3A_793] : memref<128x16xf32, #tpu.memory_space<vmem>> -> memref<128x16xf32, #tpu.memory_space<vmem>>
    tpu.wait_dma2 semaphore(%arg11 : memref<!tpu.dma_semaphore, #tpu.memory_space<semaphore_mem>>) src(%dma_wait3A_794 : memref<128x16xf32, #tpu.memory_space<vmem>>) dst(%dma_wait3A_791 : memref<128x16xf32, #tpu.memory_space<hbm>>)
    %dma_start3A_795 = arith.constant 0 : i32
    %dma_start3A_796 = arith.constant 0 : i32
    %dma_start3A_797 = tpu.memref_slice %arg7[%dma_start3A_795, %dma_start3A_796] : memref<128x16xf32, #tpu.memory_space<vmem>> -> memref<72x16xf32, #tpu.memory_space<vmem>>
    %dma_start3A_798 = arith.constant 2432 : i32
    %dma_start3A_799 = tpu.memref_slice %arg5[%dma_start3A_798] : memref<2504xi32, #tpu.memory_space<vmem>> -> memref<72xi32, #tpu.memory_space<vmem>>
    %dma_start3A_800 = arith.constant 0 : i32
    %dma_start3A_801 = arith.constant 0 : i32
    %dma_start3A_802 = tpu.memref_slice %arg2[%dma_start3A_800, %dma_start3A_801] : memref<20000x16xf32, #tpu.memory_space<hbm>> -> memref<20000x16xf32, #tpu.memory_space<hbm>>
    tpu.enqueue_indirect_dma source(%dma_start3A_802 : memref<20000x16xf32, #tpu.memory_space<hbm>>) target(%dma_start3A_797 : memref<72x16xf32, #tpu.memory_space<vmem>>) offsets(%dma_start3A_799 : memref<72xi32, #tpu.memory_space<vmem>>) semaphore(%arg9 : memref<!tpu.dma_semaphore, #tpu.memory_space<semaphore_mem>>)
    %dma_wait3A_803 = arith.constant 0 : i32
    %dma_wait3A_804 = arith.constant 0 : i32
    %dma_wait3A_805 = tpu.memref_slice %arg6[%dma_wait3A_803, %dma_wait3A_804] : memref<128x16xf32, #tpu.memory_space<vmem>> -> memref<128x16xf32, #tpu.memory_space<vmem>>
    %dma_wait3A_806 = arith.constant 2304 : i32
    %dma_wait3A_807 = tpu.memref_slice %arg5[%dma_wait3A_806] : memref<2504xi32, #tpu.memory_space<vmem>> -> memref<128xi32, #tpu.memory_space<vmem>>
    %dma_wait3A_808 = arith.constant 0 : i32
    %dma_wait3A_809 = arith.constant 0 : i32
    %dma_wait3A_810 = tpu.memref_slice %arg2[%dma_wait3A_808, %dma_wait3A_809] : memref<20000x16xf32, #tpu.memory_space<hbm>> -> memref<20000x16xf32, #tpu.memory_space<hbm>>
    tpu.wait_indirect_dma semaphore(%arg8 : memref<!tpu.dma_semaphore, #tpu.memory_space<semaphore_mem>>) src(%dma_wait3A_810 : memref<20000x16xf32, #tpu.memory_space<hbm>>) dst(%dma_wait3A_805 : memref<128x16xf32, #tpu.memory_space<vmem>>)
    %add3A_811 = arith.constant 2304 : i32
    %add3A_812 = arith.addi %mul3A_32, %add3A_811 : i32
    %dma_start3A_813 = arith.constant 0 : i32
    %dma_start3A_814 = arith.constant 0 : i32
    %dma_start3A_815 = tpu.memref_slice %arg6[%dma_start3A_813, %dma_start3A_814] : memref<128x16xf32, #tpu.memory_space<vmem>> -> memref<128x16xf32, #tpu.memory_space<vmem>>
    %dma_start3A_816 = arith.constant 0 : i32
    %dma_start3A_817 = tpu.memref_slice %arg4[%select_n3A, %add3A_812, %dma_start3A_816] : memref<4x20032x16xf32, #tpu.memory_space<hbm>> -> memref<1x128x16xf32, #tpu.memory_space<hbm>>
    %dma_start3A_818 = tpu.memref_squeeze %dma_start3A_817 : memref<1x128x16xf32, #tpu.memory_space<hbm>> -> memref<128x16xf32, #tpu.memory_space<hbm>>
    %dma_start3A_819 = arith.constant 0 : i32
    %dma_start3A_820 = tpu.memref_slice %arg4[%select_n3A, %add3A_812, %dma_start3A_819] : memref<4x20032x16xf32, #tpu.memory_space<hbm>> -> memref<1x128x16xf32, #tpu.memory_space<hbm>>
    %dma_start3A_821 = tpu.memref_squeeze %dma_start3A_820 : memref<1x128x16xf32, #tpu.memory_space<hbm>> -> memref<128x16xf32, #tpu.memory_space<hbm>>
    %dma_start3A_822 = arith.constant 0 : i32
    %dma_start3A_823 = arith.constant 0 : i32
    %dma_start3A_824 = tpu.memref_slice %arg6[%dma_start3A_822, %dma_start3A_823] : memref<128x16xf32, #tpu.memory_space<vmem>> -> memref<128x16xf32, #tpu.memory_space<vmem>>
    tpu.enqueue_dma source(%dma_start3A_824 : memref<128x16xf32, #tpu.memory_space<vmem>>) target(%dma_start3A_821 : memref<128x16xf32, #tpu.memory_space<hbm>>) target_semaphore(%arg10 : memref<!tpu.dma_semaphore, #tpu.memory_space<semaphore_mem>>)
    %dma_wait3A_825 = arith.constant 0 : i32
    %dma_wait3A_826 = arith.constant 0 : i32
    %dma_wait3A_827 = tpu.memref_slice %arg7[%dma_wait3A_825, %dma_wait3A_826] : memref<128x16xf32, #tpu.memory_space<vmem>> -> memref<72x16xf32, #tpu.memory_space<vmem>>
    %dma_wait3A_828 = arith.constant 2432 : i32
    %dma_wait3A_829 = tpu.memref_slice %arg5[%dma_wait3A_828] : memref<2504xi32, #tpu.memory_space<vmem>> -> memref<72xi32, #tpu.memory_space<vmem>>
    %dma_wait3A_830 = arith.constant 0 : i32
    %dma_wait3A_831 = arith.constant 0 : i32
    %dma_wait3A_832 = tpu.memref_slice %arg2[%dma_wait3A_830, %dma_wait3A_831] : memref<20000x16xf32, #tpu.memory_space<hbm>> -> memref<20000x16xf32, #tpu.memory_space<hbm>>
    tpu.wait_indirect_dma semaphore(%arg9 : memref<!tpu.dma_semaphore, #tpu.memory_space<semaphore_mem>>) src(%dma_wait3A_832 : memref<20000x16xf32, #tpu.memory_space<hbm>>) dst(%dma_wait3A_827 : memref<72x16xf32, #tpu.memory_space<vmem>>)
    %add3A_833 = arith.constant 2432 : i32
    %add3A_834 = arith.addi %mul3A_32, %add3A_833 : i32
    %dma_start3A_835 = arith.constant 0 : i32
    %dma_start3A_836 = arith.constant 0 : i32
    %dma_start3A_837 = tpu.memref_slice %arg7[%dma_start3A_835, %dma_start3A_836] : memref<128x16xf32, #tpu.memory_space<vmem>> -> memref<72x16xf32, #tpu.memory_space<vmem>>
    %dma_start3A_838 = arith.constant 0 : i32
    %dma_start3A_839 = tpu.memref_slice %arg4[%select_n3A, %add3A_834, %dma_start3A_838] : memref<4x20032x16xf32, #tpu.memory_space<hbm>> -> memref<1x72x16xf32, #tpu.memory_space<hbm>>
    %dma_start3A_840 = tpu.memref_squeeze %dma_start3A_839 : memref<1x72x16xf32, #tpu.memory_space<hbm>> -> memref<72x16xf32, #tpu.memory_space<hbm>>
    %dma_start3A_841 = arith.constant 0 : i32
    %dma_start3A_842 = tpu.memref_slice %arg4[%select_n3A, %add3A_834, %dma_start3A_841] : memref<4x20032x16xf32, #tpu.memory_space<hbm>> -> memref<1x72x16xf32, #tpu.memory_space<hbm>>
    %dma_start3A_843 = tpu.memref_squeeze %dma_start3A_842 : memref<1x72x16xf32, #tpu.memory_space<hbm>> -> memref<72x16xf32, #tpu.memory_space<hbm>>
    %dma_start3A_844 = arith.constant 0 : i32
    %dma_start3A_845 = arith.constant 0 : i32
    %dma_start3A_846 = tpu.memref_slice %arg7[%dma_start3A_844, %dma_start3A_845] : memref<128x16xf32, #tpu.memory_space<vmem>> -> memref<72x16xf32, #tpu.memory_space<vmem>>
    tpu.enqueue_dma source(%dma_start3A_846 : memref<72x16xf32, #tpu.memory_space<vmem>>) target(%dma_start3A_843 : memref<72x16xf32, #tpu.memory_space<hbm>>) target_semaphore(%arg11 : memref<!tpu.dma_semaphore, #tpu.memory_space<semaphore_mem>>)
    %dma_wait3A_847 = arith.constant 0 : i32
    %dma_wait3A_848 = arith.constant 0 : i32
    %dma_wait3A_849 = tpu.memref_slice %arg6[%dma_wait3A_847, %dma_wait3A_848] : memref<128x16xf32, #tpu.memory_space<vmem>> -> memref<128x16xf32, #tpu.memory_space<vmem>>
    %dma_wait3A_850 = arith.constant 0 : i32
    %dma_wait3A_851 = tpu.memref_slice %arg4[%select_n3A, %add3A_812, %dma_wait3A_850] : memref<4x20032x16xf32, #tpu.memory_space<hbm>> -> memref<1x128x16xf32, #tpu.memory_space<hbm>>
    %dma_wait3A_852 = tpu.memref_squeeze %dma_wait3A_851 : memref<1x128x16xf32, #tpu.memory_space<hbm>> -> memref<128x16xf32, #tpu.memory_space<hbm>>
    %dma_wait3A_853 = arith.constant 0 : i32
    %dma_wait3A_854 = tpu.memref_slice %arg4[%select_n3A, %add3A_812, %dma_wait3A_853] : memref<4x20032x16xf32, #tpu.memory_space<hbm>> -> memref<1x128x16xf32, #tpu.memory_space<hbm>>
    %dma_wait3A_855 = tpu.memref_squeeze %dma_wait3A_854 : memref<1x128x16xf32, #tpu.memory_space<hbm>> -> memref<128x16xf32, #tpu.memory_space<hbm>>
    %dma_wait3A_856 = arith.constant 0 : i32
    %dma_wait3A_857 = arith.constant 0 : i32
    %dma_wait3A_858 = tpu.memref_slice %arg6[%dma_wait3A_856, %dma_wait3A_857] : memref<128x16xf32, #tpu.memory_space<vmem>> -> memref<128x16xf32, #tpu.memory_space<vmem>>
    tpu.wait_dma2 semaphore(%arg10 : memref<!tpu.dma_semaphore, #tpu.memory_space<semaphore_mem>>) src(%dma_wait3A_858 : memref<128x16xf32, #tpu.memory_space<vmem>>) dst(%dma_wait3A_855 : memref<128x16xf32, #tpu.memory_space<hbm>>)
    %dma_wait3A_859 = arith.constant 0 : i32
    %dma_wait3A_860 = arith.constant 0 : i32
    %dma_wait3A_861 = tpu.memref_slice %arg7[%dma_wait3A_859, %dma_wait3A_860] : memref<128x16xf32, #tpu.memory_space<vmem>> -> memref<72x16xf32, #tpu.memory_space<vmem>>
    %dma_wait3A_862 = arith.constant 0 : i32
    %dma_wait3A_863 = tpu.memref_slice %arg4[%select_n3A, %add3A_834, %dma_wait3A_862] : memref<4x20032x16xf32, #tpu.memory_space<hbm>> -> memref<1x72x16xf32, #tpu.memory_space<hbm>>
    %dma_wait3A_864 = tpu.memref_squeeze %dma_wait3A_863 : memref<1x72x16xf32, #tpu.memory_space<hbm>> -> memref<72x16xf32, #tpu.memory_space<hbm>>
    %dma_wait3A_865 = arith.constant 0 : i32
    %dma_wait3A_866 = tpu.memref_slice %arg4[%select_n3A, %add3A_834, %dma_wait3A_865] : memref<4x20032x16xf32, #tpu.memory_space<hbm>> -> memref<1x72x16xf32, #tpu.memory_space<hbm>>
    %dma_wait3A_867 = tpu.memref_squeeze %dma_wait3A_866 : memref<1x72x16xf32, #tpu.memory_space<hbm>> -> memref<72x16xf32, #tpu.memory_space<hbm>>
    %dma_wait3A_868 = arith.constant 0 : i32
    %dma_wait3A_869 = arith.constant 0 : i32
    %dma_wait3A_870 = tpu.memref_slice %arg7[%dma_wait3A_868, %dma_wait3A_869] : memref<128x16xf32, #tpu.memory_space<vmem>> -> memref<72x16xf32, #tpu.memory_space<vmem>>
    tpu.wait_dma2 semaphore(%arg11 : memref<!tpu.dma_semaphore, #tpu.memory_space<semaphore_mem>>) src(%dma_wait3A_870 : memref<72x16xf32, #tpu.memory_space<vmem>>) dst(%dma_wait3A_867 : memref<72x16xf32, #tpu.memory_space<hbm>>)
    return
  }
}

</mosaic_0001>

<sc_bundles>
// kernel: _sc_gather4.3.cloned.1.call-start
scs
__scs_entry_jumppad:
0x0: {  	(pc) =	sbr.rel $0x88, $3  }
0x1: {  	(tag) =	ssettag $0x0;
	lr =	simm.s32 $0x1  }
0x2: {  	[smem:$0x3F9F] =	sst lr;
	_ =	strace $0xD0000000  }
0x3: {  	_ = 	snop  }
0x4: {  	_ = 	snop  }
0x5: {  	_ = 	snop  }
0x6: {  	_ = 	snop  }
0x7: {  	_ = 	snop  }
__scs_overlays_trampoline_lowered:
0x8: {  	[smem:$0x3FAE] =	sst s0  }
0x9: {  	[smem:$0x3FAF] =	sst s1  }
0xa: {  	[smem:$0x3FB0] =	sst s2  }
0xb: {  	[smem:$0x3FB1] =	sst s3  }
0xc: {  	[smem:$0x3FB2] =	sst s4  }
0xd: {  	[smem:$0x3FB3] =	sst s5  }
0xe: {  	[smem:$0x3FB4] =	sst s6  }
0xf: {  	[smem:$0x3FB5] =	sst s7  }
0x10: {  	[smem:$0x3FB6] =	sst s8  }
0x11: {  	[smem:$0x3FB7] =	sst s9;
	s0 =	simm.s32 @!p0 $0x0  }
0x12: {  	s1 =	sld [smem:$0x3F9D];
	s0 =	simm.s32 @p0 $0x1  }
0x13: {  	[smem:$0x3FB8] =	sst s0;
	s0 =	simm.s32 @!p1 $0x0  }
0x14: {  	s2 =	sld [smem:$0x3F9C];
	s0 =	simm.s32 @p1 $0x1  }
0x15: {  	[smem:$0x3FB9] =	sst s0;
	s0 =	simm.s32 @!p2 $0x0  }
0x16: {  	s3 =	sld [smem:$0x3FDB];
	s0 =	simm.s32 @p2 $0x1  }
0x17: {  	s4 =	simm.s32 $0x1BF5;
	[smem:$0x3FBB] =	sst s0  }
0x18: {  	s0 =	sld [smem:$0x3F9E];
	_ =	swait.ge [sflag:s4], $0x0  }
0x19: {  	s7 =	sld [smem:$0x3F9F]  }
0x1a: {  	s8 =	sadd.s32 $0xFFFFE003, lr  }
0x1b: {  	s9 =	sadd.s32 $0xFFFFFEF7, lr;
	s5 =	simm.s32 $0xFFFFFFFF;
	p2 =	slt.u32 s8, $0xFFFFF086  }
0x1c: {  	p1 =	slt.u32 s9, $0xF7A;
	s5 =	simm.s32 @!p2 $0x0  }
0x1d: {  	s5 =	simm.s32 @p1 $0x1;
	p0 =	seq.s32 s7, s2  }
0x1e: {  	s7 =	smul.u32 @!p0 $0xF7A, s2;
	p2 =	seq.s32 @!p0 s5, $0x0  }
0x1f: {  	s9 =	smul.u32 $0xF7A, s1;
	s8 =	simm.s32 @!p0 $0x1BF5;
	p2 =	por !p2, p0  }
0x20: {  	[sflag:s8] =	ssyncset.s32 @!p0 $0xFFFFF086;
	s6 =	sadd.s32 @!p0 s3, s7;
	s7 =	simm.s32 @!p0 $0x108  }
0x21: {  	s3 =	sadd.s32 s3, s9;
	s6 =	sadd.s32 @!p0 $0x88, s6;
	s7 =	simm.s32 @p2 $0x1082  }
0x22: {  	[simem:s7], [sflag:s8] =	dma.local @!p0 [hbm:s6], $0xF7A  }
0x23: {  	s9 =	sor.u32 $0xD0000000, s2;
	s6 =	simm.s32 $0x108;
	_ =	swait.ge @!p0 [sflag:s8], $0x0  }
0x24: {  	s3 =	sadd.s32 $0x88, s3;
	s6 =	simm.s32 @!p1 $0x1082;
	[sflag:s4] =	ssyncset.s32 $0xFFFFF086  }
0x25: {  	[simem:s6], [sflag:s4] =	dma.local [hbm:s3], $0xF7A  }
0x26: {  	[smem:$0x3F9F] =	sst s1;
	(tag) =	ssettag s2;
	_ =	strace s9  }
0x27: {  	s1 =	sld [smem:$0x3FAF]  }
0x28: {  	s2 =	sld [smem:$0x3FB0]  }
0x29: {  	s4 =	sld [smem:$0x3FB2]  }
0x2a: {  	p0 =	seq.s32 s5, $0x0;
	s5 =	sld [smem:$0x3FB3]  }
0x2b: {  	s6 =	sld [smem:$0x3FB4]  }
0x2c: {  	s7 =	sld [smem:$0x3FB5]  }
0x2d: {  	s3 =	simm.s32 $0x108;
	s8 =	sld [smem:$0x3FB6]  }
0x2e: {  	s3 =	simm.s32 @!p0 $0x1082;
	s9 =	sld [smem:$0x3FB7]  }
0x2f: {  	lr =	sadd.s32 s0, s3;
	s0 =	sld [smem:$0x3FAE]  }
0x30: {  	s3 =	sld [smem:$0x3FB1]  }
0x31: {  	[smem:$0x3FBA] =	sst s10  }
0x32: {  	s10 =	sld [smem:$0x3FB8];
	_ =	sdelay $0x3  }
0x33: {  	p0 =	seq.s32 s10, $0x1;
	s10 =	sld [smem:$0x3FBA];
	_ =	sdelay $0x3  }
0x34: {  	[smem:$0x3FBA] =	sst s10  }
0x35: {  	s10 =	sld [smem:$0x3FB9];
	_ =	sdelay $0x3  }
0x36: {  	p1 =	seq.s32 s10, $0x1;
	s10 =	sld [smem:$0x3FBA];
	_ =	sdelay $0x3  }
0x37: {  	[smem:$0x3FBA] =	sst s10  }
0x38: {  	s10 =	sld [smem:$0x3FBB]  }
0x39: {  	_ = 	snop;
	(pc) =	sbr.ind lr, $3  }
0x3a: {  	_ = 	snop  }
0x3b: {  	_ = 	snop  }
0x3c: {  	p2 =	seq.s32 s10, $0x1;
	s10 =	sld [smem:$0x3FBA]  }
0x3d: {  	_ =	shalt  }
0x3e: {  	_ =	shalt  }
0x3f: {  	_ =	shalt  }
0x40: {  	_ =	shalt  }
0x41: {  	_ =	shalt  }
0x42: {  	_ =	shalt  }
0x43: {  	_ =	shalt  }
0x44: {  	_ =	shalt  }
0x45: {  	_ =	shalt  }
0x46: {  	_ =	shalt  }
0x47: {  	_ =	shalt  }
0x48: {  	_ =	shalt  }
0x49: {  	_ =	shalt  }
0x4a: {  	_ =	shalt  }
0x4b: {  	_ =	shalt  }
0x4c: {  	_ =	shalt  }
0x4d: {  	_ =	shalt  }
0x4e: {  	_ =	shalt  }
0x4f: {  	_ =	shalt  }
0x50: {  	_ =	shalt  }
0x51: {  	_ =	shalt  }
0x52: {  	_ =	shalt  }
0x53: {  	_ =	shalt  }
0x54: {  	_ =	shalt  }
0x55: {  	_ =	shalt  }
0x56: {  	_ =	shalt  }
0x57: {  	_ =	shalt  }
0x58: {  	_ =	shalt  }
0x59: {  	_ =	shalt  }
0x5a: {  	_ =	shalt  }
0x5b: {  	_ =	shalt  }
0x5c: {  	_ =	shalt  }
0x5d: {  	_ =	shalt  }
0x5e: {  	_ =	shalt  }
0x5f: {  	_ =	shalt  }
0x60: {  	_ =	shalt  }
0x61: {  	_ =	shalt  }
0x62: {  	_ =	shalt  }
0x63: {  	_ =	shalt  }
0x64: {  	_ =	shalt  }
0x65: {  	_ =	shalt  }
0x66: {  	_ =	shalt  }
0x67: {  	_ =	shalt  }
0x68: {  	_ =	shalt  }
0x69: {  	_ =	shalt  }
0x6a: {  	_ =	shalt  }
0x6b: {  	_ =	shalt  }
0x6c: {  	_ =	shalt  }
0x6d: {  	_ =	shalt  }
0x6e: {  	_ =	shalt  }
0x6f: {  	_ =	shalt  }
0x70: {  	_ =	shalt  }
0x71: {  	_ =	shalt  }
0x72: {  	_ =	shalt  }
0x73: {  	_ =	shalt  }
0x74: {  	_ =	shalt  }
0x75: {  	_ =	shalt  }
0x76: {  	_ =	shalt  }
0x77: {  	_ =	shalt  }
0x78: {  	_ =	shalt  }
0x79: {  	_ =	shalt  }
0x7a: {  	_ =	shalt  }
0x7b: {  	_ =	shalt  }
0x7c: {  	_ =	shalt  }
0x7d: {  	_ =	shalt  }
0x7e: {  	_ =	shalt  }
0x7f: {  	_ =	shalt  }
0x80: {  	_ =	shalt  }
0x81: {  	_ =	shalt  }
0x82: {  	_ =	shalt  }
0x83: {  	_ =	shalt  }
0x84: {  	_ =	shalt  }
0x85: {  	_ =	shalt  }
0x86: {  	_ =	shalt  }
0x87: {  	_ =	shalt  }
.Lfunc_end0:
.L_simem_size_0:
called_computation_lowered:
.L_overlay_start_0:
0x88: {  	s2 =	sld [smem:$0x3FD9]  }
0x89: {  	s3 =	sld [smem:$0x3FFE];
	_ =	sdelay $0x1  }
0x8a: {  	s1 =	srdreg.scid  }
0x8b: {  	s0 =	sand.u32 $0x1, s1  }
0x8c: {  	s17 =	sshll.u32 s0, $0xA;
	s2 =	sadd.s32 s3, s2  }
0x8d: {  	s2 =	sadd.s32 s2, s17  }
0x8e: {  	[smem:$0x3FC6] =	sst s2  }
0x8f: {  	_ = 	snop  }
0x90: {  	s2 =	sld [smem:$0x3FD0];
	(tm) =	ssettm $0x1  }
0x91: {  	s18 =	sld [smem:$0x3FFB];
	_ =	sdelay $0x3  }
0x92: {  	_ =	strace s18  }
0x93: {  	s3 =	sld [smem:$0x3FFC];
	_ =	sdelay $0x3  }
0x94: {  	_ =	strace s3  }
0x95: {  	s3 =	sld [smem:$0x3FFD];
	_ =	sdelay $0x3  }
0x96: {  	_ =	strace s3  }
0x97: {  	_ =	strace $0x8FFFFFFF  }
0x98: {  	s19 =	sld [smem:$0x3FDB];
	_ =	sdelay $0x1  }
0x99: {  	s4 =	simm.s32 $_scs_section_size  }
0x9a: {  	s5 =	simm.s32 $_size__tile_overlayer_lowered;
	s6 =	simm.s32 $_tile_overlayer_lowered  }
0x9b: {  	s22 =	simm.s32 $0x1BFF;
	s21 =	sshll.u32 s6, $0x1;
	s3 =	sadd.s32 s4, s19  }
0x9c: {  	s7 =	simm.s32 $0x0;
	s20 =	sshll.u32 s5, $0x1;
	s5 =	sadd.s32 s21, s3  }
0x9d: {  	[timem:s7], [sflag:s22] =	dma.local [hbm:s5], s20  }
0x9e: {  	_ =	swait.ge [sflag:s22], s20  }
0x9f: {  	s4 =	ssub.s32 $0x0, s20;
	[sflag:s22] =	ssyncset.done $0x0  }
0xa0: {  	[sflag:s22] =	ssyncadd.s32 s4;
	_ =	sdelay $0x1  }
0xa1: {  	s23 =	simm.s32 $0x1B8B  }
0xa2: {  	_ =	swait.ge [sflag:s23], $0x1  }
0xa3: {  	[sflag:s23] =	ssyncset.done $0x0  }
0xa4: {  	s25 =	simm.s32 $0x1B8E;
	s24 =	sld [smem:$0x3FFE];
	[sflag:s23] =	ssyncadd.s32 $0xFFFFFFFF  }
0xa5: {  	s26 =	simm.s32 $execute0_lowered;
	[smem:$0x3FD2] =	sst s25  }
0xa6: {  	s5 =	sshll.u32 s26, $0x1;
	_ =	strace $0x80000046;
	[dreg:$0x1] =	wrdreg $0xFFFFFFFF  }
0xa7: {  	s28 =	simm.s32 $_size_execute0_lowered;
	s3 =	sadd.s32 s3, s5;
	[dreg:$0x0] =	wrdreg $0x0  }
0xa8: {  	s5 =	sshll.u32 s28, $0x1;
	[dreg:$0x2] =	wrdreg s3  }
0xa9: {  	[dreg:$0x3] =	wrdreg s5  }
0xaa: {  	[dreg:$0x4] =	wrdreg $0xC0  }
0xab: {  	_ =	task [dreg:s7], $0x5FFFF  }
0xac: {  	[dreg:$0x1] =	wrdreg $0xFFFFFFFF  }
0xad: {  	[dreg:$0x0] =	wrdreg $0x60  }
0xae: {  	[dreg:$0x2] =	wrdreg s24  }
0xaf: {  	[dreg:$0x3] =	wrdreg s2  }
0xb0: {  	[dreg:$0x4] =	wrdreg $0x9  }
0xb1: {  	_ =	task.clear_ibuf [dreg:s7], $0x5FFFF;
	_ =	strace $0x90000046  }
0xb2: {  	s29 =	simm.s32 $0x9;
	_ =	strace $0x80000048  }
0xb3: {  	_ =	swait.ge [sflag:s29], $0x1  }
0xb4: {  	[sflag:s29] =	ssyncadd.s32 $0xFFFFFFFF  }
0xb5: {  	_ =	strace $0x90000048  }
0xb6: {  	_ =	sfence  }
0xb7: {  	s30 =	sld [smem:$0x0];
	_ =	sdelay $0x2  }
0xb8: {  	s31 =	sshll.u32 s1, $0xD;
	s1 =	sshrl.u32 s1, $0x2  }
0xb9: {  	s3 =	sand.u32 $0x4000, s31;
	s1 =	sadd.s32 s1, s30  }
0xba: {  	s0 =	sor.u32 s3, s0;
	s1 =	sshll.u32 s1, $0x11  }
0xbb: {  	s0 =	sor.u32 s1, s0  }
0xbc: {  	s0 =	sadd.s32 $0x8F2B, s0  }
0xbd: {  	[sflag:s0] =	ssyncadd.remote.s32 $0x1  }
0xbe: {  	_ =	sfence.sel $0xFFFF  }
0xbf: {  	[dreg:$0x0] =	wrdreg $0xFFFFFFFF;
	(pc) =	sbr.abs _section_cstart, $3  }
0xc0: {  	[dreg:$0x1] =	wrdreg $0xFFFFFFFF  }
0xc1: {  	_ =	task.clear_ibuf [dreg:s7], $0x2FFFF;
	_ =	strace $0x9FFFFFFF  }
0xc2: {  	(tm) =	ssettm $0x7FFFFFFF  }
0xc3: {  	_ =	shalt  }
tec
execute0_lowered:
.L_overlay_start_1:
0x0: {  	(tag) =	ssettag $0x1  }
0x1: {  	s2 =	stileid.u32  }
0x2: {  	s0 =	srdreg.scid;
	s1 =	sshll.u32 s2, $0x1;
	s2 =	sshrl.u32 s2, $0x2  }
0x3: {  	s0 =	sand.u32 $0x1, s0;
	s1 =	sand.u32 $0x6, s1;
	s3 =	smul.u32 $0x4E40, s2  }
0x4: {  	s6 =	smul.u32 $0x4E400, s2;
	s1 =	sor.u32 s0, s1  }
0x5: {  	s5 =	rddreg [dreg:$0x0];
	s4 =	smul.u32 $0x9C8, s1  }
0x6: {  	s7 =	rddreg [dreg:$0x1];
	s1 =	smul.u32 $0x9C80, s1  }
0x7: {  	s26 =	simm.s32 $0x100;
	s2 =	simm.s32 $0x0;
	s3 =	sadd.s32 s3, s4  }
0x8: {  	[smem:$0x7FF] =	sst s2;
	s1 =	sadd.s32 s6, s1;
	s3 =	sshrl.u32 s3, $0x3  }
0x9: {  	_ =	strace $0x80000047;
	s1 =	sshrl.u32 s1, $0x3;
	s3 =	sadd.s32 s3, s5  }
0xa: {  	[dreg:$0x17] =	wrdreg s26;
	s23 =	sadd.s32 s7, s1;
	s3 =	sadd.s32 $0x400, s3  }
0xb: {  	s1 =	sadd.s32 $0x100, s23;
	[dreg:$0x3] =	wrdreg s3  }
0xc: {  	s6 =	sadd.s32 $0x200, s23;
	[dreg:$0x4] =	wrdreg s1  }
0xd: {  	s7 =	sadd.s32 $0x300, s23;
	[dreg:$0x5] =	wrdreg s6  }
0xe: {  	s8 =	sadd.s32 $0x400, s23;
	[dreg:$0x6] =	wrdreg s7  }
0xf: {  	s9 =	sadd.s32 $0x500, s23;
	[dreg:$0x7] =	wrdreg s8  }
0x10: {  	s10 =	sadd.s32 $0x600, s23;
	[dreg:$0x8] =	wrdreg s9  }
0x11: {  	s31 =	simm.s32 $0x5;
	s11 =	sadd.s32 $0x700, s23;
	[dreg:$0x9] =	wrdreg s10  }
0x12: {  	s30 =	simm.s32 $0x180;
	s12 =	sadd.s32 $0x800, s23;
	[dreg:$0xa] =	wrdreg s11  }
0x13: {  	s29 =	simm.s32 $0x200;
	s13 =	sadd.s32 $0x900, s23;
	[dreg:$0xb] =	wrdreg s12  }
0x14: {  	s28 =	simm.s32 $0x280;
	s14 =	sadd.s32 $0xA00, s23;
	[dreg:$0xc] =	wrdreg s13  }
0x15: {  	p0 =	por $0x0, $0x0;
	s15 =	sadd.s32 $0xB00, s23;
	[dreg:$0xd] =	wrdreg s14  }
0x16: {  	s0 =	ssub.s32 $0x2, s0;
	s16 =	sadd.s32 $0xC00, s23;
	[dreg:$0xe] =	wrdreg s15  }
0x17: {  	s24 =	sshrl.u32 s0, $0x1;
	s17 =	sadd.s32 $0xD00, s23;
	[dreg:$0xf] =	wrdreg s16  }
0x18: {  	s26 =	simm.s32 $0x300;
	s18 =	sadd.s32 $0xE00, s23;
	[dreg:$0x10] =	wrdreg s17  }
0x19: {  	s0 =	ssub.s32 s0, s24;
	s19 =	sadd.s32 $0xF00, s23;
	[dreg:$0x11] =	wrdreg s18  }
0x1a: {  	s24 =	simm.s32 $0x400;
	s20 =	sadd.s32 $0x1000, s23;
	[dreg:$0x12] =	wrdreg s19  }
0x1b: {  	s0 =	smax.u32 s0, $0x1;
	s21 =	sadd.s32 $0x1100, s23;
	[dreg:$0x13] =	wrdreg s20  }
0x1c: {  	s4 =	simm.s32 $0x3;
	s22 =	sadd.s32 $0x1200, s23;
	[dreg:$0x14] =	wrdreg s21  }
0x1d: {  	p1 =	sne.s32 s0, $0x1;
	s25 =	sadd.s32 $0x1300, s23;
	[dreg:$0x15] =	wrdreg s22  }
0x1e: {  	s6 =	sadd.s32 $0x2C00, s5;
	[dreg:$0x16] =	wrdreg s25;
	s10 =	simm.s32 $0x80  }
0x1f: {  	s7 =	simm.s32 $0x9C8;
	s3 =	simm.s32 $0x11C8;
	s9 =	simm.s32 $0x1  }
0x20: {  	s8 =	simm.s32 $0x2;
	s5 =	simm.s32 $0x4;
	s25 =	simm.s32 $0x380  }
.Ltmp0:
0x21: {  	s22 =	simm.s32 $0x480;
	s21 =	simm.s32 $0x500;
	(pc) =	sbr.rel @!p1 .LBB2_3-.Ltmp0, $4  }
0x22: {  	s20 =	simm.s32 $0x580;
	s19 =	simm.s32 $0x600;
	s18 =	simm.s32 $0x680  }
0x23: {  	s17 =	simm.s32 $0x700;
	s1 =	sadd.s32 $0xFFFFFFFF, s0;
	s16 =	simm.s32 $0x780  }
0x24: {  	s15 =	simm.s32 $0x800;
	s14 =	simm.s32 $0x880;
	s13 =	simm.s32 $0x900  }
0x25: {  	s11 =	simm.s32 $0x48;
	s12 =	simm.s32 $0x980;
	s0 =	rddreg [dreg:$0x3]  }
0x26: {  	[tilespmem:s2], [sflag:$0x5] =	stream.linear.gather [hbm4b:s0+s2], $0x9C8, $0x38;
	[tilespmem:$0x19C8] =	vst v63  }
0x27: {  	_ =	swait.ge [sflag:s31], $0x9C8  }
0x28: {  	[sflag:s31] =	ssyncset.done $0x0  }
0x29: {  	[sflag:s31] =	ssyncadd.s32 $0xFFFFF638  }
0x2a: {  	[tilespmem:s7], [sflag:$0x1] =	stream.indirect.gather [hbm4b:s6+s10], $0x10, s2, s10, $0xb8;
	[tilespmem:$0x19C8] =	vst v63  }
0x2b: {  	_ = 	snop  }
0x2c: {  	[tilespmem:s3], [sflag:$0x2] =	stream.indirect.gather [hbm4b:s6+s10], $0x10, s10, s10, $0xb8;
	[tilespmem:$0x19C8] =	vst v63  }
0x2d: {  	_ =	swait.ge [sflag:s9], $0x800  }
0x2e: {  	[sflag:s9] =	ssyncset.done $0x0  }
0x2f: {  	[sflag:s9] =	ssyncadd.s32 $0xFFFFF800  }
0x30: {  	[hbm4b:s23+s2] =	stream.linear.scatter [tilespmem:s7], [sflag:$0x3], $0x800, $0x38;
	[tilespmem:$0x19C8] =	vst v63  }
0x31: {  	_ =	swait.ge [sflag:s4], $0x800  }
0x32: {  	[sflag:s4] =	ssyncset.done $0x0  }
0x33: {  	s0 =	rddreg [dreg:$0x17];
	[sflag:s4] =	ssyncadd.s32 $0xFFFFF800  }
0x34: {  	[tilespmem:s7], [sflag:$0x1] =	stream.indirect.gather [hbm4b:s6+s10], $0x10, s0, s10, $0xb8;
	[tilespmem:$0x19C8] =	vst v63  }
0x35: {  	_ =	swait.ge [sflag:s8], $0x800  }
0x36: {  	[sflag:s8] =	ssyncset.done $0x0  }
0x37: {  	s0 =	rddreg [dreg:$0x4];
	[sflag:s8] =	ssyncadd.s32 $0xFFFFF800  }
0x38: {  	[hbm4b:s0+s2] =	stream.linear.scatter [tilespmem:s3], [sflag:$0x4], $0x800, $0x38;
	[tilespmem:$0x19C8] =	vst v63  }
0x39: {  	_ =	swait.ge [sflag:s5], $0x800  }
0x3a: {  	[sflag:s5] =	ssyncset.done $0x0  }
0x3b: {  	[sflag:s5] =	ssyncadd.s32 $0xFFFFF800  }
0x3c: {  	[tilespmem:s3], [sflag:$0x2] =	stream.indirect.gather [hbm4b:s6+s10], $0x10, s30, s10, $0xb8;
	[tilespmem:$0x19C8] =	vst v63  }
0x3d: {  	_ =	swait.ge [sflag:s9], $0x800  }
0x3e: {  	[sflag:s9] =	ssyncset.done $0x0  }
0x3f: {  	s0 =	rddreg [dreg:$0x5];
	[sflag:s9] =	ssyncadd.s32 $0xFFFFF800  }
0x40: {  	[hbm4b:s0+s2] =	stream.linear.scatter [tilespmem:s7], [sflag:$0x3], $0x800, $0x38;
	[tilespmem:$0x19C8] =	vst v63  }
0x41: {  	_ =	swait.ge [sflag:s4], $0x800  }
0x42: {  	[sflag:s4] =	ssyncset.done $0x0  }
0x43: {  	[sflag:s4] =	ssyncadd.s32 $0xFFFFF800  }
0x44: {  	[tilespmem:s7], [sflag:$0x1] =	stream.indirect.gather [hbm4b:s6+s10], $0x10, s29, s10, $0xb8;
	[tilespmem:$0x19C8] =	vst v63  }
0x45: {  	_ =	swait.ge [sflag:s8], $0x800  }
0x46: {  	[sflag:s8] =	ssyncset.done $0x0  }
0x47: {  	s0 =	rddreg [dreg:$0x6];
	[sflag:s8] =	ssyncadd.s32 $0xFFFFF800  }
0x48: {  	[hbm4b:s0+s2] =	stream.linear.scatter [tilespmem:s3], [sflag:$0x4], $0x800, $0x38;
	[tilespmem:$0x19C8] =	vst v63  }
0x49: {  	_ =	swait.ge [sflag:s5], $0x800  }
0x4a: {  	[sflag:s5] =	ssyncset.done $0x0  }
0x4b: {  	[sflag:s5] =	ssyncadd.s32 $0xFFFFF800  }
0x4c: {  	[tilespmem:s3], [sflag:$0x2] =	stream.indirect.gather [hbm4b:s6+s10], $0x10, s28, s10, $0xb8;
	[tilespmem:$0x19C8] =	vst v63  }
0x4d: {  	_ =	swait.ge [sflag:s9], $0x800  }
0x4e: {  	[sflag:s9] =	ssyncset.done $0x0  }
0x4f: {  	s0 =	rddreg [dreg:$0x7];
	[sflag:s9] =	ssyncadd.s32 $0xFFFFF800  }
0x50: {  	[hbm4b:s0+s2] =	stream.linear.scatter [tilespmem:s7], [sflag:$0x3], $0x800, $0x38;
	[tilespmem:$0x19C8] =	vst v63  }
0x51: {  	_ =	swait.ge [sflag:s4], $0x800  }
0x52: {  	[sflag:s4] =	ssyncset.done $0x0  }
0x53: {  	[sflag:s4] =	ssyncadd.s32 $0xFFFFF800  }
0x54: {  	[tilespmem:s7], [sflag:$0x1] =	stream.indirect.gather [hbm4b:s6+s10], $0x10, s26, s10, $0xb8;
	[tilespmem:$0x19C8] =	vst v63  }
0x55: {  	_ =	swait.ge [sflag:s8], $0x800  }
0x56: {  	[sflag:s8] =	ssyncset.done $0x0  }
0x57: {  	s0 =	rddreg [dreg:$0x8];
	[sflag:s8] =	ssyncadd.s32 $0xFFFFF800  }
0x58: {  	[hbm4b:s0+s2] =	stream.linear.scatter [tilespmem:s3], [sflag:$0x4], $0x800, $0x38;
	[tilespmem:$0x19C8] =	vst v63  }
0x59: {  	_ =	swait.ge [sflag:s5], $0x800  }
0x5a: {  	[sflag:s5] =	ssyncset.done $0x0  }
0x5b: {  	[sflag:s5] =	ssyncadd.s32 $0xFFFFF800  }
0x5c: {  	[tilespmem:s3], [sflag:$0x2] =	stream.indirect.gather [hbm4b:s6+s10], $0x10, s25, s10, $0xb8;
	[tilespmem:$0x19C8] =	vst v63  }
0x5d: {  	_ =	swait.ge [sflag:s9], $0x800  }
0x5e: {  	[sflag:s9] =	ssyncset.done $0x0  }
0x5f: {  	s0 =	rddreg [dreg:$0x9];
	[sflag:s9] =	ssyncadd.s32 $0xFFFFF800  }
0x60: {  	[hbm4b:s0+s2] =	stream.linear.scatter [tilespmem:s7], [sflag:$0x3], $0x800, $0x38;
	[tilespmem:$0x19C8] =	vst v63  }
0x61: {  	_ =	swait.ge [sflag:s4], $0x800  }
0x62: {  	[sflag:s4] =	ssyncset.done $0x0  }
0x63: {  	[sflag:s4] =	ssyncadd.s32 $0xFFFFF800  }
0x64: {  	[tilespmem:s7], [sflag:$0x1] =	stream.indirect.gather [hbm4b:s6+s10], $0x10, s24, s10, $0xb8;
	[tilespmem:$0x19C8] =	vst v63  }
0x65: {  	_ =	swait.ge [sflag:s8], $0x800  }
0x66: {  	[sflag:s8] =	ssyncset.done $0x0  }
0x67: {  	s0 =	rddreg [dreg:$0xa];
	[sflag:s8] =	ssyncadd.s32 $0xFFFFF800  }
0x68: {  	[hbm4b:s0+s2] =	stream.linear.scatter [tilespmem:s3], [sflag:$0x4], $0x800, $0x38;
	[tilespmem:$0x19C8] =	vst v63  }
0x69: {  	_ =	swait.ge [sflag:s5], $0x800  }
0x6a: {  	[sflag:s5] =	ssyncset.done $0x0  }
0x6b: {  	[sflag:s5] =	ssyncadd.s32 $0xFFFFF800  }
0x6c: {  	[tilespmem:s3], [sflag:$0x2] =	stream.indirect.gather [hbm4b:s6+s10], $0x10, s22, s10, $0xb8;
	[tilespmem:$0x19C8] =	vst v63  }
0x6d: {  	_ =	swait.ge [sflag:s9], $0x800  }
0x6e: {  	[sflag:s9] =	ssyncset.done $0x0  }
0x6f: {  	s0 =	rddreg [dreg:$0xb];
	[sflag:s9] =	ssyncadd.s32 $0xFFFFF800  }
0x70: {  	[hbm4b:s0+s2] =	stream.linear.scatter [tilespmem:s7], [sflag:$0x3], $0x800, $0x38;
	[tilespmem:$0x19C8] =	vst v63  }
0x71: {  	_ =	swait.ge [sflag:s4], $0x800  }
0x72: {  	[sflag:s4] =	ssyncset.done $0x0  }
0x73: {  	[sflag:s4] =	ssyncadd.s32 $0xFFFFF800  }
0x74: {  	[tilespmem:s7], [sflag:$0x1] =	stream.indirect.gather [hbm4b:s6+s10], $0x10, s21, s10, $0xb8;
	[tilespmem:$0x19C8] =	vst v63  }
0x75: {  	_ =	swait.ge [sflag:s8], $0x800  }
0x76: {  	[sflag:s8] =	ssyncset.done $0x0  }
0x77: {  	s0 =	rddreg [dreg:$0xc];
	[sflag:s8] =	ssyncadd.s32 $0xFFFFF800  }
0x78: {  	[hbm4b:s0+s2] =	stream.linear.scatter [tilespmem:s3], [sflag:$0x4], $0x800, $0x38;
	[tilespmem:$0x19C8] =	vst v63  }
0x79: {  	_ =	swait.ge [sflag:s5], $0x800  }
0x7a: {  	[sflag:s5] =	ssyncset.done $0x0  }
0x7b: {  	[sflag:s5] =	ssyncadd.s32 $0xFFFFF800  }
0x7c: {  	[tilespmem:s3], [sflag:$0x2] =	stream.indirect.gather [hbm4b:s6+s10], $0x10, s20, s10, $0xb8;
	[tilespmem:$0x19C8] =	vst v63  }
0x7d: {  	_ =	swait.ge [sflag:s9], $0x800  }
0x7e: {  	[sflag:s9] =	ssyncset.done $0x0  }
0x7f: {  	s0 =	rddreg [dreg:$0xd];
	[sflag:s9] =	ssyncadd.s32 $0xFFFFF800  }
0x80: {  	[hbm4b:s0+s2] =	stream.linear.scatter [tilespmem:s7], [sflag:$0x3], $0x800, $0x38;
	[tilespmem:$0x19C8] =	vst v63  }
0x81: {  	_ =	swait.ge [sflag:s4], $0x800  }
0x82: {  	[sflag:s4] =	ssyncset.done $0x0  }
0x83: {  	[sflag:s4] =	ssyncadd.s32 $0xFFFFF800  }
0x84: {  	[tilespmem:s7], [sflag:$0x1] =	stream.indirect.gather [hbm4b:s6+s10], $0x10, s19, s10, $0xb8;
	[tilespmem:$0x19C8] =	vst v63  }
0x85: {  	_ =	swait.ge [sflag:s8], $0x800  }
0x86: {  	[sflag:s8] =	ssyncset.done $0x0  }
0x87: {  	s0 =	rddreg [dreg:$0xe];
	[sflag:s8] =	ssyncadd.s32 $0xFFFFF800  }
0x88: {  	[hbm4b:s0+s2] =	stream.linear.scatter [tilespmem:s3], [sflag:$0x4], $0x800, $0x38;
	[tilespmem:$0x19C8] =	vst v63  }
0x89: {  	_ =	swait.ge [sflag:s5], $0x800  }
0x8a: {  	[sflag:s5] =	ssyncset.done $0x0  }
0x8b: {  	[sflag:s5] =	ssyncadd.s32 $0xFFFFF800  }
0x8c: {  	[tilespmem:s3], [sflag:$0x2] =	stream.indirect.gather [hbm4b:s6+s10], $0x10, s18, s10, $0xb8;
	[tilespmem:$0x19C8] =	vst v63  }
0x8d: {  	_ =	swait.ge [sflag:s9], $0x800  }
0x8e: {  	[sflag:s9] =	ssyncset.done $0x0  }
0x8f: {  	s0 =	rddreg [dreg:$0xf];
	[sflag:s9] =	ssyncadd.s32 $0xFFFFF800  }
0x90: {  	[hbm4b:s0+s2] =	stream.linear.scatter [tilespmem:s7], [sflag:$0x3], $0x800, $0x38;
	[tilespmem:$0x19C8] =	vst v63  }
0x91: {  	_ =	swait.ge [sflag:s4], $0x800  }
0x92: {  	[sflag:s4] =	ssyncset.done $0x0  }
0x93: {  	[sflag:s4] =	ssyncadd.s32 $0xFFFFF800  }
0x94: {  	[tilespmem:s7], [sflag:$0x1] =	stream.indirect.gather [hbm4b:s6+s10], $0x10, s17, s10, $0xb8;
	[tilespmem:$0x19C8] =	vst v63  }
0x95: {  	_ =	swait.ge [sflag:s8], $0x800  }
0x96: {  	[sflag:s8] =	ssyncset.done $0x0  }
0x97: {  	s0 =	rddreg [dreg:$0x10];
	[sflag:s8] =	ssyncadd.s32 $0xFFFFF800  }
0x98: {  	[hbm4b:s0+s2] =	stream.linear.scatter [tilespmem:s3], [sflag:$0x4], $0x800, $0x38;
	[tilespmem:$0x19C8] =	vst v63  }
0x99: {  	_ =	swait.ge [sflag:s5], $0x800  }
0x9a: {  	[sflag:s5] =	ssyncset.done $0x0  }
0x9b: {  	[sflag:s5] =	ssyncadd.s32 $0xFFFFF800  }
0x9c: {  	[tilespmem:s3], [sflag:$0x2] =	stream.indirect.gather [hbm4b:s6+s10], $0x10, s16, s10, $0xb8;
	[tilespmem:$0x19C8] =	vst v63  }
0x9d: {  	_ =	swait.ge [sflag:s9], $0x800  }
0x9e: {  	[sflag:s9] =	ssyncset.done $0x0  }
0x9f: {  	s0 =	rddreg [dreg:$0x11];
	[sflag:s9] =	ssyncadd.s32 $0xFFFFF800  }
0xa0: {  	[hbm4b:s0+s2] =	stream.linear.scatter [tilespmem:s7], [sflag:$0x3], $0x800, $0x38;
	[tilespmem:$0x19C8] =	vst v63  }
0xa1: {  	_ =	swait.ge [sflag:s4], $0x800  }
0xa2: {  	[sflag:s4] =	ssyncset.done $0x0  }
0xa3: {  	[sflag:s4] =	ssyncadd.s32 $0xFFFFF800  }
0xa4: {  	[tilespmem:s7], [sflag:$0x1] =	stream.indirect.gather [hbm4b:s6+s10], $0x10, s15, s10, $0xb8;
	[tilespmem:$0x19C8] =	vst v63  }
0xa5: {  	_ =	swait.ge [sflag:s8], $0x800  }
0xa6: {  	[sflag:s8] =	ssyncset.done $0x0  }
0xa7: {  	s0 =	rddreg [dreg:$0x12];
	[sflag:s8] =	ssyncadd.s32 $0xFFFFF800  }
0xa8: {  	[hbm4b:s0+s2] =	stream.linear.scatter [tilespmem:s3], [sflag:$0x4], $0x800, $0x38;
	[tilespmem:$0x19C8] =	vst v63  }
0xa9: {  	_ =	swait.ge [sflag:s5], $0x800  }
0xaa: {  	[sflag:s5] =	ssyncset.done $0x0  }
0xab: {  	[sflag:s5] =	ssyncadd.s32 $0xFFFFF800  }
0xac: {  	[tilespmem:s3], [sflag:$0x2] =	stream.indirect.gather [hbm4b:s6+s10], $0x10, s14, s10, $0xb8;
	[tilespmem:$0x19C8] =	vst v63  }
0xad: {  	_ =	swait.ge [sflag:s9], $0x800  }
0xae: {  	[sflag:s9] =	ssyncset.done $0x0  }
0xaf: {  	s0 =	rddreg [dreg:$0x13];
	[sflag:s9] =	ssyncadd.s32 $0xFFFFF800  }
0xb0: {  	[hbm4b:s0+s2] =	stream.linear.scatter [tilespmem:s7], [sflag:$0x3], $0x800, $0x38;
	[tilespmem:$0x19C8] =	vst v63  }
0xb1: {  	_ =	swait.ge [sflag:s4], $0x800  }
0xb2: {  	[sflag:s4] =	ssyncset.done $0x0  }
0xb3: {  	[sflag:s4] =	ssyncadd.s32 $0xFFFFF800  }
0xb4: {  	[tilespmem:s7], [sflag:$0x1] =	stream.indirect.gather [hbm4b:s6+s10], $0x10, s13, s10, $0xb8;
	[tilespmem:$0x19C8] =	vst v63  }
0xb5: {  	_ =	swait.ge [sflag:s8], $0x800  }
0xb6: {  	[sflag:s8] =	ssyncset.done $0x0  }
0xb7: {  	s0 =	rddreg [dreg:$0x14];
	[sflag:s8] =	ssyncadd.s32 $0xFFFFF800  }
0xb8: {  	[hbm4b:s0+s2] =	stream.linear.scatter [tilespmem:s3], [sflag:$0x4], $0x800, $0x38;
	[tilespmem:$0x19C8] =	vst v63  }
0xb9: {  	_ =	swait.ge [sflag:s5], $0x800  }
0xba: {  	[sflag:s5] =	ssyncset.done $0x0  }
0xbb: {  	[sflag:s5] =	ssyncadd.s32 $0xFFFFF800  }
0xbc: {  	[tilespmem:s3], [sflag:$0x2] =	stream.indirect.gather [hbm4b:s6+s11], $0x10, s12, s11, $0xb8;
	[tilespmem:$0x19C8] =	vst v63  }
0xbd: {  	_ =	swait.ge [sflag:s9], $0x800  }
0xbe: {  	[sflag:s9] =	ssyncset.done $0x0  }
0xbf: {  	s0 =	rddreg [dreg:$0x15];
	[sflag:s9] =	ssyncadd.s32 $0xFFFFF800  }
0xc0: {  	[hbm4b:s0+s2] =	stream.linear.scatter [tilespmem:s7], [sflag:$0x3], $0x800, $0x38;
	[tilespmem:$0x19C8] =	vst v63  }
0xc1: {  	_ =	swait.ge [sflag:s8], $0x480  }
0xc2: {  	[sflag:s8] =	ssyncset.done $0x0  }
0xc3: {  	p1 =	sne.s32 s1, $0x1;
	s0 =	rddreg [dreg:$0x16];
	[sflag:s8] =	ssyncadd.s32 $0xFFFFFB80  }
0xc4: {  	[hbm4b:s0+s2] =	stream.linear.scatter [tilespmem:s3], [sflag:$0x4], $0x480, $0x38;
	[tilespmem:$0x19C8] =	vst v63  }
.Ltmp1:
0xc5: {  	_ =	swait.ge [sflag:s4], $0x800;
	(pc) =	sbr.rel @!p1 .LBB2_3-.Ltmp1, $4  }
0xc6: {  	[sflag:s4] =	ssyncset.done $0x0  }
0xc7: {  	[sflag:s4] =	ssyncadd.s32 $0xFFFFF800  }
0xc8: {  	s1 =	sadd.s32 $0xFFFFFFFF, s1;
	_ =	swait.ge [sflag:s5], $0x480  }
0xc9: {  	p0 =	por $0x1, $0x1;
	s0 =	rddreg [dreg:$0x3];
	[sflag:s5] =	ssyncset.done $0x0  }
.LBB2_2:
0xca: {  	[sflag:s5] =	ssyncadd.s32 $0xFFFFFB80  }
0xcb: {  	[tilespmem:s2], [sflag:$0x5] =	stream.linear.gather [hbm4b:s0+s2], $0x9C8, $0x38;
	[tilespmem:$0x19C8] =	vst v63  }
0xcc: {  	_ =	swait.ge [sflag:s31], $0x9C8  }
0xcd: {  	[sflag:s31] =	ssyncset.done $0x0  }
0xce: {  	[sflag:s31] =	ssyncadd.s32 $0xFFFFF638  }
0xcf: {  	[tilespmem:s7], [sflag:$0x1] =	stream.indirect.gather [hbm4b:s6+s10], $0x10, s2, s10, $0xb8;
	[tilespmem:$0x19C8] =	vst v63  }
0xd0: {  	_ = 	snop  }
0xd1: {  	[tilespmem:s3], [sflag:$0x2] =	stream.indirect.gather [hbm4b:s6+s10], $0x10, s10, s10, $0xb8;
	[tilespmem:$0x19C8] =	vst v63  }
0xd2: {  	_ =	swait.ge [sflag:s9], $0x800  }
0xd3: {  	[sflag:s9] =	ssyncset.done $0x0  }
0xd4: {  	[sflag:s9] =	ssyncadd.s32 $0xFFFFF800  }
0xd5: {  	[hbm4b:s23+s2] =	stream.linear.scatter [tilespmem:s7], [sflag:$0x3], $0x800, $0x38;
	[tilespmem:$0x19C8] =	vst v63  }
0xd6: {  	_ =	swait.ge [sflag:s4], $0x800  }
0xd7: {  	[sflag:s4] =	ssyncset.done $0x0  }
0xd8: {  	s0 =	rddreg [dreg:$0x17];
	[sflag:s4] =	ssyncadd.s32 $0xFFFFF800  }
0xd9: {  	[tilespmem:s7], [sflag:$0x1] =	stream.indirect.gather [hbm4b:s6+s10], $0x10, s0, s10, $0xb8;
	[tilespmem:$0x19C8] =	vst v63  }
0xda: {  	_ =	swait.ge [sflag:s8], $0x800  }
0xdb: {  	[sflag:s8] =	ssyncset.done $0x0  }
0xdc: {  	s0 =	rddreg [dreg:$0x4];
	[sflag:s8] =	ssyncadd.s32 $0xFFFFF800  }
0xdd: {  	[hbm4b:s0+s2] =	stream.linear.scatter [tilespmem:s3], [sflag:$0x4], $0x800, $0x38;
	[tilespmem:$0x19C8] =	vst v63  }
0xde: {  	_ =	swait.ge [sflag:s5], $0x800  }
0xdf: {  	[sflag:s5] =	ssyncset.done $0x0  }
0xe0: {  	[sflag:s5] =	ssyncadd.s32 $0xFFFFF800  }
0xe1: {  	[tilespmem:s3], [sflag:$0x2] =	stream.indirect.gather [hbm4b:s6+s10], $0x10, s30, s10, $0xb8;
	[tilespmem:$0x19C8] =	vst v63  }
0xe2: {  	_ =	swait.ge [sflag:s9], $0x800  }
0xe3: {  	[sflag:s9] =	ssyncset.done $0x0  }
0xe4: {  	s0 =	rddreg [dreg:$0x5];
	[sflag:s9] =	ssyncadd.s32 $0xFFFFF800  }
0xe5: {  	[hbm4b:s0+s2] =	stream.linear.scatter [tilespmem:s7], [sflag:$0x3], $0x800, $0x38;
	[tilespmem:$0x19C8] =	vst v63  }
0xe6: {  	_ =	swait.ge [sflag:s4], $0x800  }
0xe7: {  	[sflag:s4] =	ssyncset.done $0x0  }
0xe8: {  	[sflag:s4] =	ssyncadd.s32 $0xFFFFF800  }
0xe9: {  	[tilespmem:s7], [sflag:$0x1] =	stream.indirect.gather [hbm4b:s6+s10], $0x10, s29, s10, $0xb8;
	[tilespmem:$0x19C8] =	vst v63  }
0xea: {  	_ =	swait.ge [sflag:s8], $0x800  }
0xeb: {  	[sflag:s8] =	ssyncset.done $0x0  }
0xec: {  	s0 =	rddreg [dreg:$0x6];
	[sflag:s8] =	ssyncadd.s32 $0xFFFFF800  }
0xed: {  	[hbm4b:s0+s2] =	stream.linear.scatter [tilespmem:s3], [sflag:$0x4], $0x800, $0x38;
	[tilespmem:$0x19C8] =	vst v63  }
0xee: {  	_ =	swait.ge [sflag:s5], $0x800  }
0xef: {  	[sflag:s5] =	ssyncset.done $0x0  }
0xf0: {  	[sflag:s5] =	ssyncadd.s32 $0xFFFFF800  }
0xf1: {  	[tilespmem:s3], [sflag:$0x2] =	stream.indirect.gather [hbm4b:s6+s10], $0x10, s28, s10, $0xb8;
	[tilespmem:$0x19C8] =	vst v63  }
0xf2: {  	_ =	swait.ge [sflag:s9], $0x800  }
0xf3: {  	[sflag:s9] =	ssyncset.done $0x0  }
0xf4: {  	s0 =	rddreg [dreg:$0x7];
	[sflag:s9] =	ssyncadd.s32 $0xFFFFF800  }
0xf5: {  	[hbm4b:s0+s2] =	stream.linear.scatter [tilespmem:s7], [sflag:$0x3], $0x800, $0x38;
	[tilespmem:$0x19C8] =	vst v63  }
0xf6: {  	_ =	swait.ge [sflag:s4], $0x800  }
0xf7: {  	[sflag:s4] =	ssyncset.done $0x0  }
0xf8: {  	[sflag:s4] =	ssyncadd.s32 $0xFFFFF800  }
0xf9: {  	[tilespmem:s7], [sflag:$0x1] =	stream.indirect.gather [hbm4b:s6+s10], $0x10, s26, s10, $0xb8;
	[tilespmem:$0x19C8] =	vst v63  }
0xfa: {  	_ =	swait.ge [sflag:s8], $0x800  }
0xfb: {  	[sflag:s8] =	ssyncset.done $0x0  }
0xfc: {  	s0 =	rddreg [dreg:$0x8];
	[sflag:s8] =	ssyncadd.s32 $0xFFFFF800  }
0xfd: {  	[hbm4b:s0+s2] =	stream.linear.scatter [tilespmem:s3], [sflag:$0x4], $0x800, $0x38;
	[tilespmem:$0x19C8] =	vst v63  }
0xfe: {  	_ =	swait.ge [sflag:s5], $0x800  }
0xff: {  	[sflag:s5] =	ssyncset.done $0x0  }
0x100: {  	[sflag:s5] =	ssyncadd.s32 $0xFFFFF800  }
0x101: {  	[tilespmem:s3], [sflag:$0x2] =	stream.indirect.gather [hbm4b:s6+s10], $0x10, s25, s10, $0xb8;
	[tilespmem:$0x19C8] =	vst v63  }
0x102: {  	_ =	swait.ge [sflag:s9], $0x800  }
0x103: {  	[sflag:s9] =	ssyncset.done $0x0  }
0x104: {  	s0 =	rddreg [dreg:$0x9];
	[sflag:s9] =	ssyncadd.s32 $0xFFFFF800  }
0x105: {  	[hbm4b:s0+s2] =	stream.linear.scatter [tilespmem:s7], [sflag:$0x3], $0x800, $0x38;
	[tilespmem:$0x19C8] =	vst v63  }
0x106: {  	_ =	swait.ge [sflag:s4], $0x800  }
0x107: {  	[sflag:s4] =	ssyncset.done $0x0  }
0x108: {  	[sflag:s4] =	ssyncadd.s32 $0xFFFFF800  }
0x109: {  	[tilespmem:s7], [sflag:$0x1] =	stream.indirect.gather [hbm4b:s6+s10], $0x10, s24, s10, $0xb8;
	[tilespmem:$0x19C8] =	vst v63  }
0x10a: {  	_ =	swait.ge [sflag:s8], $0x800  }
0x10b: {  	[sflag:s8] =	ssyncset.done $0x0  }
0x10c: {  	s0 =	rddreg [dreg:$0xa];
	[sflag:s8] =	ssyncadd.s32 $0xFFFFF800  }
0x10d: {  	[hbm4b:s0+s2] =	stream.linear.scatter [tilespmem:s3], [sflag:$0x4], $0x800, $0x38;
	[tilespmem:$0x19C8] =	vst v63  }
0x10e: {  	_ =	swait.ge [sflag:s5], $0x800  }
0x10f: {  	[sflag:s5] =	ssyncset.done $0x0  }
0x110: {  	[sflag:s5] =	ssyncadd.s32 $0xFFFFF800  }
0x111: {  	[tilespmem:s3], [sflag:$0x2] =	stream.indirect.gather [hbm4b:s6+s10], $0x10, s22, s10, $0xb8;
	[tilespmem:$0x19C8] =	vst v63  }
0x112: {  	_ =	swait.ge [sflag:s9], $0x800  }
0x113: {  	[sflag:s9] =	ssyncset.done $0x0  }
0x114: {  	s0 =	rddreg [dreg:$0xb];
	[sflag:s9] =	ssyncadd.s32 $0xFFFFF800  }
0x115: {  	[hbm4b:s0+s2] =	stream.linear.scatter [tilespmem:s7], [sflag:$0x3], $0x800, $0x38;
	[tilespmem:$0x19C8] =	vst v63  }
0x116: {  	_ =	swait.ge [sflag:s4], $0x800  }
0x117: {  	[sflag:s4] =	ssyncset.done $0x0  }
0x118: {  	[sflag:s4] =	ssyncadd.s32 $0xFFFFF800  }
0x119: {  	[tilespmem:s7], [sflag:$0x1] =	stream.indirect.gather [hbm4b:s6+s10], $0x10, s21, s10, $0xb8;
	[tilespmem:$0x19C8] =	vst v63  }
0x11a: {  	_ =	swait.ge [sflag:s8], $0x800  }
0x11b: {  	[sflag:s8] =	ssyncset.done $0x0  }
0x11c: {  	s0 =	rddreg [dreg:$0xc];
	[sflag:s8] =	ssyncadd.s32 $0xFFFFF800  }
0x11d: {  	[hbm4b:s0+s2] =	stream.linear.scatter [tilespmem:s3], [sflag:$0x4], $0x800, $0x38;
	[tilespmem:$0x19C8] =	vst v63  }
0x11e: {  	_ =	swait.ge [sflag:s5], $0x800  }
0x11f: {  	[sflag:s5] =	ssyncset.done $0x0  }
0x120: {  	[sflag:s5] =	ssyncadd.s32 $0xFFFFF800  }
0x121: {  	[tilespmem:s3], [sflag:$0x2] =	stream.indirect.gather [hbm4b:s6+s10], $0x10, s20, s10, $0xb8;
	[tilespmem:$0x19C8] =	vst v63  }
0x122: {  	_ =	swait.ge [sflag:s9], $0x800  }
0x123: {  	[sflag:s9] =	ssyncset.done $0x0  }
0x124: {  	s0 =	rddreg [dreg:$0xd];
	[sflag:s9] =	ssyncadd.s32 $0xFFFFF800  }
0x125: {  	[hbm4b:s0+s2] =	stream.linear.scatter [tilespmem:s7], [sflag:$0x3], $0x800, $0x38;
	[tilespmem:$0x19C8] =	vst v63  }
0x126: {  	_ =	swait.ge [sflag:s4], $0x800  }
0x127: {  	[sflag:s4] =	ssyncset.done $0x0  }
0x128: {  	[sflag:s4] =	ssyncadd.s32 $0xFFFFF800  }
0x129: {  	[tilespmem:s7], [sflag:$0x1] =	stream.indirect.gather [hbm4b:s6+s10], $0x10, s19, s10, $0xb8;
	[tilespmem:$0x19C8] =	vst v63  }
0x12a: {  	_ =	swait.ge [sflag:s8], $0x800  }
0x12b: {  	[sflag:s8] =	ssyncset.done $0x0  }
0x12c: {  	s0 =	rddreg [dreg:$0xe];
	[sflag:s8] =	ssyncadd.s32 $0xFFFFF800  }
0x12d: {  	[hbm4b:s0+s2] =	stream.linear.scatter [tilespmem:s3], [sflag:$0x4], $0x800, $0x38;
	[tilespmem:$0x19C8] =	vst v63  }
0x12e: {  	_ =	swait.ge [sflag:s5], $0x800  }
0x12f: {  	[sflag:s5] =	ssyncset.done $0x0  }
0x130: {  	[sflag:s5] =	ssyncadd.s32 $0xFFFFF800  }
0x131: {  	[tilespmem:s3], [sflag:$0x2] =	stream.indirect.gather [hbm4b:s6+s10], $0x10, s18, s10, $0xb8;
	[tilespmem:$0x19C8] =	vst v63  }
0x132: {  	_ =	swait.ge [sflag:s9], $0x800  }
0x133: {  	[sflag:s9] =	ssyncset.done $0x0  }
0x134: {  	s0 =	rddreg [dreg:$0xf];
	[sflag:s9] =	ssyncadd.s32 $0xFFFFF800  }
0x135: {  	[hbm4b:s0+s2] =	stream.linear.scatter [tilespmem:s7], [sflag:$0x3], $0x800, $0x38;
	[tilespmem:$0x19C8] =	vst v63  }
0x136: {  	_ =	swait.ge [sflag:s4], $0x800  }
0x137: {  	[sflag:s4] =	ssyncset.done $0x0  }
0x138: {  	[sflag:s4] =	ssyncadd.s32 $0xFFFFF800  }
0x139: {  	[tilespmem:s7], [sflag:$0x1] =	stream.indirect.gather [hbm4b:s6+s10], $0x10, s17, s10, $0xb8;
	[tilespmem:$0x19C8] =	vst v63  }
0x13a: {  	_ =	swait.ge [sflag:s8], $0x800  }
0x13b: {  	[sflag:s8] =	ssyncset.done $0x0  }
0x13c: {  	s0 =	rddreg [dreg:$0x10];
	[sflag:s8] =	ssyncadd.s32 $0xFFFFF800  }
0x13d: {  	[hbm4b:s0+s2] =	stream.linear.scatter [tilespmem:s3], [sflag:$0x4], $0x800, $0x38;
	[tilespmem:$0x19C8] =	vst v63  }
0x13e: {  	_ =	swait.ge [sflag:s5], $0x800  }
0x13f: {  	[sflag:s5] =	ssyncset.done $0x0  }
0x140: {  	[sflag:s5] =	ssyncadd.s32 $0xFFFFF800  }
0x141: {  	[tilespmem:s3], [sflag:$0x2] =	stream.indirect.gather [hbm4b:s6+s10], $0x10, s16, s10, $0xb8;
	[tilespmem:$0x19C8] =	vst v63  }
0x142: {  	_ =	swait.ge [sflag:s9], $0x800  }
0x143: {  	[sflag:s9] =	ssyncset.done $0x0  }
0x144: {  	s0 =	rddreg [dreg:$0x11];
	[sflag:s9] =	ssyncadd.s32 $0xFFFFF800  }
0x145: {  	[hbm4b:s0+s2] =	stream.linear.scatter [tilespmem:s7], [sflag:$0x3], $0x800, $0x38;
	[tilespmem:$0x19C8] =	vst v63  }
0x146: {  	_ =	swait.ge [sflag:s4], $0x800  }
0x147: {  	[sflag:s4] =	ssyncset.done $0x0  }
0x148: {  	[sflag:s4] =	ssyncadd.s32 $0xFFFFF800  }
0x149: {  	[tilespmem:s7], [sflag:$0x1] =	stream.indirect.gather [hbm4b:s6+s10], $0x10, s15, s10, $0xb8;
	[tilespmem:$0x19C8] =	vst v63  }
0x14a: {  	_ =	swait.ge [sflag:s8], $0x800  }
0x14b: {  	[sflag:s8] =	ssyncset.done $0x0  }
0x14c: {  	s0 =	rddreg [dreg:$0x12];
	[sflag:s8] =	ssyncadd.s32 $0xFFFFF800  }
0x14d: {  	[hbm4b:s0+s2] =	stream.linear.scatter [tilespmem:s3], [sflag:$0x4], $0x800, $0x38;
	[tilespmem:$0x19C8] =	vst v63  }
0x14e: {  	_ =	swait.ge [sflag:s5], $0x800  }
0x14f: {  	[sflag:s5] =	ssyncset.done $0x0  }
0x150: {  	[sflag:s5] =	ssyncadd.s32 $0xFFFFF800  }
0x151: {  	[tilespmem:s3], [sflag:$0x2] =	stream.indirect.gather [hbm4b:s6+s10], $0x10, s14, s10, $0xb8;
	[tilespmem:$0x19C8] =	vst v63  }
0x152: {  	_ =	swait.ge [sflag:s9], $0x800  }
0x153: {  	[sflag:s9] =	ssyncset.done $0x0  }
0x154: {  	s0 =	rddreg [dreg:$0x13];
	[sflag:s9] =	ssyncadd.s32 $0xFFFFF800  }
0x155: {  	[hbm4b:s0+s2] =	stream.linear.scatter [tilespmem:s7], [sflag:$0x3], $0x800, $0x38;
	[tilespmem:$0x19C8] =	vst v63  }
0x156: {  	_ =	swait.ge [sflag:s4], $0x800  }
0x157: {  	[sflag:s4] =	ssyncset.done $0x0  }
0x158: {  	[sflag:s4] =	ssyncadd.s32 $0xFFFFF800  }
0x159: {  	[tilespmem:s7], [sflag:$0x1] =	stream.indirect.gather [hbm4b:s6+s10], $0x10, s13, s10, $0xb8;
	[tilespmem:$0x19C8] =	vst v63  }
0x15a: {  	_ =	swait.ge [sflag:s8], $0x800  }
0x15b: {  	[sflag:s8] =	ssyncset.done $0x0  }
0x15c: {  	s0 =	rddreg [dreg:$0x14];
	[sflag:s8] =	ssyncadd.s32 $0xFFFFF800  }
0x15d: {  	[hbm4b:s0+s2] =	stream.linear.scatter [tilespmem:s3], [sflag:$0x4], $0x800, $0x38;
	[tilespmem:$0x19C8] =	vst v63  }
0x15e: {  	_ =	swait.ge [sflag:s5], $0x800  }
0x15f: {  	[sflag:s5] =	ssyncset.done $0x0  }
0x160: {  	[sflag:s5] =	ssyncadd.s32 $0xFFFFF800  }
0x161: {  	[tilespmem:s3], [sflag:$0x2] =	stream.indirect.gather [hbm4b:s6+s11], $0x10, s12, s11, $0xb8;
	[tilespmem:$0x19C8] =	vst v63  }
0x162: {  	_ =	swait.ge [sflag:s9], $0x800  }
0x163: {  	[sflag:s9] =	ssyncset.done $0x0  }
0x164: {  	s0 =	rddreg [dreg:$0x15];
	[sflag:s9] =	ssyncadd.s32 $0xFFFFF800  }
0x165: {  	[hbm4b:s0+s2] =	stream.linear.scatter [tilespmem:s7], [sflag:$0x3], $0x800, $0x38;
	[tilespmem:$0x19C8] =	vst v63  }
0x166: {  	_ =	swait.ge [sflag:s8], $0x480  }
0x167: {  	[sflag:s8] =	ssyncset.done $0x0  }
0x168: {  	p1 =	sne.s32 s1, $0x1;
	s0 =	rddreg [dreg:$0x16];
	[sflag:s8] =	ssyncadd.s32 $0xFFFFFB80  }
0x169: {  	[hbm4b:s0+s2] =	stream.linear.scatter [tilespmem:s3], [sflag:$0x4], $0x480, $0x38;
	[tilespmem:$0x19C8] =	vst v63  }
.Ltmp2:
0x16a: {  	_ =	swait.ge [sflag:s4], $0x800;
	(pc) =	sbr.rel @p1 .LBB2_2-.Ltmp2, $4  }
0x16b: {  	[sflag:s4] =	ssyncset.done $0x0  }
0x16c: {  	[sflag:s4] =	ssyncadd.s32 $0xFFFFF800  }
0x16d: {  	_ =	swait.ge [sflag:s5], $0x480  }
0x16e: {  	s1 =	sadd.s32 $0xFFFFFFFF, s1;
	s0 =	rddreg [dreg:$0x3];
	[sflag:s5] =	ssyncset.done $0x0  }
.LBB2_3:
0x16f: {  	[sflag:s5] =	ssyncadd.s32 @p0 $0xFFFFFB80  }
0x170: {  	[tilespmem:s2], [sflag:$0x5] =	stream.linear.gather [hbm4b:s0+s2], $0x9C8, $0x38;
	[tilespmem:$0x19C8] =	vst v63  }
0x171: {  	_ =	swait.ge [sflag:s31], $0x9C8  }
0x172: {  	[sflag:s31] =	ssyncset.done $0x0  }
0x173: {  	[sflag:s31] =	ssyncadd.s32 $0xFFFFF638  }
0x174: {  	[tilespmem:s7], [sflag:$0x1] =	stream.indirect.gather [hbm4b:s6+s10], $0x10, s2, s10, $0xb8;
	[tilespmem:$0x19C8] =	vst v63  }
0x175: {  	_ = 	snop  }
0x176: {  	[tilespmem:s3], [sflag:$0x2] =	stream.indirect.gather [hbm4b:s6+s10], $0x10, s10, s10, $0xb8;
	[tilespmem:$0x19C8] =	vst v63  }
0x177: {  	_ =	swait.ge [sflag:s9], $0x800  }
0x178: {  	[sflag:s9] =	ssyncset.done $0x0  }
0x179: {  	[sflag:s9] =	ssyncadd.s32 $0xFFFFF800  }
0x17a: {  	[hbm4b:s23+s2] =	stream.linear.scatter [tilespmem:s7], [sflag:$0x3], $0x800, $0x38;
	[tilespmem:$0x19C8] =	vst v63  }
0x17b: {  	_ =	swait.ge [sflag:s4], $0x800  }
0x17c: {  	[sflag:s4] =	ssyncset.done $0x0  }
0x17d: {  	s1 =	rddreg [dreg:$0x17];
	[sflag:s4] =	ssyncadd.s32 $0xFFFFF800  }
0x17e: {  	[tilespmem:s7], [sflag:$0x1] =	stream.indirect.gather [hbm4b:s6+s10], $0x10, s1, s10, $0xb8;
	[tilespmem:$0x19C8] =	vst v63  }
0x17f: {  	_ =	swait.ge [sflag:s8], $0x800  }
0x180: {  	[sflag:s8] =	ssyncset.done $0x0  }
0x181: {  	s23 =	rddreg [dreg:$0x4];
	[sflag:s8] =	ssyncadd.s32 $0xFFFFF800  }
0x182: {  	[hbm4b:s23+s2] =	stream.linear.scatter [tilespmem:s3], [sflag:$0x4], $0x800, $0x38;
	[tilespmem:$0x19C8] =	vst v63  }
0x183: {  	_ =	swait.ge [sflag:s5], $0x800  }
0x184: {  	[sflag:s5] =	ssyncset.done $0x0  }
0x185: {  	[sflag:s5] =	ssyncadd.s32 $0xFFFFF800  }
0x186: {  	[tilespmem:s3], [sflag:$0x2] =	stream.indirect.gather [hbm4b:s6+s10], $0x10, s30, s10, $0xb8;
	[tilespmem:$0x19C8] =	vst v63  }
0x187: {  	_ =	swait.ge [sflag:s9], $0x800  }
0x188: {  	[sflag:s9] =	ssyncset.done $0x0  }
0x189: {  	s31 =	rddreg [dreg:$0x5];
	[sflag:s9] =	ssyncadd.s32 $0xFFFFF800  }
0x18a: {  	[hbm4b:s31+s2] =	stream.linear.scatter [tilespmem:s7], [sflag:$0x3], $0x800, $0x38;
	[tilespmem:$0x19C8] =	vst v63  }
0x18b: {  	_ =	swait.ge [sflag:s4], $0x800  }
0x18c: {  	[sflag:s4] =	ssyncset.done $0x0  }
0x18d: {  	[sflag:s4] =	ssyncadd.s32 $0xFFFFF800  }
0x18e: {  	[tilespmem:s7], [sflag:$0x1] =	stream.indirect.gather [hbm4b:s6+s10], $0x10, s29, s10, $0xb8;
	[tilespmem:$0x19C8] =	vst v63  }
0x18f: {  	_ =	swait.ge [sflag:s8], $0x800  }
0x190: {  	[sflag:s8] =	ssyncset.done $0x0  }
0x191: {  	s1 =	rddreg [dreg:$0x6];
	[sflag:s8] =	ssyncadd.s32 $0xFFFFF800  }
0x192: {  	[hbm4b:s1+s2] =	stream.linear.scatter [tilespmem:s3], [sflag:$0x4], $0x800, $0x38;
	[tilespmem:$0x19C8] =	vst v63  }
0x193: {  	_ =	swait.ge [sflag:s5], $0x800  }
0x194: {  	[sflag:s5] =	ssyncset.done $0x0  }
0x195: {  	[sflag:s5] =	ssyncadd.s32 $0xFFFFF800  }
0x196: {  	[tilespmem:s3], [sflag:$0x2] =	stream.indirect.gather [hbm4b:s6+s10], $0x10, s28, s10, $0xb8;
	[tilespmem:$0x19C8] =	vst v63  }
0x197: {  	_ =	swait.ge [sflag:s9], $0x800  }
0x198: {  	[sflag:s9] =	ssyncset.done $0x0  }
0x199: {  	s23 =	rddreg [dreg:$0x7];
	[sflag:s9] =	ssyncadd.s32 $0xFFFFF800  }
0x19a: {  	[hbm4b:s23+s2] =	stream.linear.scatter [tilespmem:s7], [sflag:$0x3], $0x800, $0x38;
	[tilespmem:$0x19C8] =	vst v63  }
0x19b: {  	_ =	swait.ge [sflag:s4], $0x800  }
0x19c: {  	[sflag:s4] =	ssyncset.done $0x0  }
0x19d: {  	[sflag:s4] =	ssyncadd.s32 $0xFFFFF800  }
0x19e: {  	[tilespmem:s7], [sflag:$0x1] =	stream.indirect.gather [hbm4b:s6+s10], $0x10, s26, s10, $0xb8;
	[tilespmem:$0x19C8] =	vst v63  }
0x19f: {  	_ =	swait.ge [sflag:s8], $0x800  }
0x1a0: {  	[sflag:s8] =	ssyncset.done $0x0  }
0x1a1: {  	s28 =	rddreg [dreg:$0x8];
	[sflag:s8] =	ssyncadd.s32 $0xFFFFF800  }
0x1a2: {  	[hbm4b:s28+s2] =	stream.linear.scatter [tilespmem:s3], [sflag:$0x4], $0x800, $0x38;
	[tilespmem:$0x19C8] =	vst v63  }
0x1a3: {  	_ =	swait.ge [sflag:s5], $0x800  }
0x1a4: {  	[sflag:s5] =	ssyncset.done $0x0  }
0x1a5: {  	[sflag:s5] =	ssyncadd.s32 $0xFFFFF800  }
0x1a6: {  	[tilespmem:s3], [sflag:$0x2] =	stream.indirect.gather [hbm4b:s6+s10], $0x10, s25, s10, $0xb8;
	[tilespmem:$0x19C8] =	vst v63  }
0x1a7: {  	_ =	swait.ge [sflag:s9], $0x800  }
0x1a8: {  	[sflag:s9] =	ssyncset.done $0x0  }
0x1a9: {  	s29 =	rddreg [dreg:$0x9];
	[sflag:s9] =	ssyncadd.s32 $0xFFFFF800  }
0x1aa: {  	[hbm4b:s29+s2] =	stream.linear.scatter [tilespmem:s7], [sflag:$0x3], $0x800, $0x38;
	[tilespmem:$0x19C8] =	vst v63  }
0x1ab: {  	_ =	swait.ge [sflag:s4], $0x800  }
0x1ac: {  	[sflag:s4] =	ssyncset.done $0x0  }
0x1ad: {  	[sflag:s4] =	ssyncadd.s32 $0xFFFFF800  }
0x1ae: {  	[tilespmem:s7], [sflag:$0x1] =	stream.indirect.gather [hbm4b:s6+s10], $0x10, s24, s10, $0xb8;
	[tilespmem:$0x19C8] =	vst v63  }
0x1af: {  	_ =	swait.ge [sflag:s8], $0x800  }
0x1b0: {  	[sflag:s8] =	ssyncset.done $0x0  }
0x1b1: {  	s30 =	rddreg [dreg:$0xa];
	[sflag:s8] =	ssyncadd.s32 $0xFFFFF800  }
0x1b2: {  	[hbm4b:s30+s2] =	stream.linear.scatter [tilespmem:s3], [sflag:$0x4], $0x800, $0x38;
	[tilespmem:$0x19C8] =	vst v63  }
0x1b3: {  	_ =	swait.ge [sflag:s5], $0x800  }
0x1b4: {  	[sflag:s5] =	ssyncset.done $0x0  }
0x1b5: {  	[sflag:s5] =	ssyncadd.s32 $0xFFFFF800  }
0x1b6: {  	[tilespmem:s3], [sflag:$0x2] =	stream.indirect.gather [hbm4b:s6+s10], $0x10, s22, s10, $0xb8;
	[tilespmem:$0x19C8] =	vst v63  }
0x1b7: {  	_ =	swait.ge [sflag:s9], $0x800  }
0x1b8: {  	[sflag:s9] =	ssyncset.done $0x0  }
0x1b9: {  	s31 =	rddreg [dreg:$0xb];
	[sflag:s9] =	ssyncadd.s32 $0xFFFFF800  }
0x1ba: {  	[hbm4b:s31+s2] =	stream.linear.scatter [tilespmem:s7], [sflag:$0x3], $0x800, $0x38;
	[tilespmem:$0x19C8] =	vst v63  }
0x1bb: {  	_ =	swait.ge [sflag:s4], $0x800  }
0x1bc: {  	[sflag:s4] =	ssyncset.done $0x0  }
0x1bd: {  	[sflag:s4] =	ssyncadd.s32 $0xFFFFF800  }
0x1be: {  	[tilespmem:s7], [sflag:$0x1] =	stream.indirect.gather [hbm4b:s6+s10], $0x10, s21, s10, $0xb8;
	[tilespmem:$0x19C8] =	vst v63  }
0x1bf: {  	_ =	swait.ge [sflag:s8], $0x800  }
0x1c0: {  	[sflag:s8] =	ssyncset.done $0x0  }
0x1c1: {  	s1 =	rddreg [dreg:$0xc];
	[sflag:s8] =	ssyncadd.s32 $0xFFFFF800  }
0x1c2: {  	[hbm4b:s1+s2] =	stream.linear.scatter [tilespmem:s3], [sflag:$0x4], $0x800, $0x38;
	[tilespmem:$0x19C8] =	vst v63  }
0x1c3: {  	_ =	swait.ge [sflag:s5], $0x800  }
0x1c4: {  	[sflag:s5] =	ssyncset.done $0x0  }
0x1c5: {  	[sflag:s5] =	ssyncadd.s32 $0xFFFFF800  }
0x1c6: {  	[tilespmem:s3], [sflag:$0x2] =	stream.indirect.gather [hbm4b:s6+s10], $0x10, s20, s10, $0xb8;
	[tilespmem:$0x19C8] =	vst v63  }
0x1c7: {  	_ =	swait.ge [sflag:s9], $0x800  }
0x1c8: {  	[sflag:s9] =	ssyncset.done $0x0  }
0x1c9: {  	s20 =	rddreg [dreg:$0xd];
	[sflag:s9] =	ssyncadd.s32 $0xFFFFF800  }
0x1ca: {  	[hbm4b:s20+s2] =	stream.linear.scatter [tilespmem:s7], [sflag:$0x3], $0x800, $0x38;
	[tilespmem:$0x19C8] =	vst v63  }
0x1cb: {  	_ =	swait.ge [sflag:s4], $0x800  }
0x1cc: {  	[sflag:s4] =	ssyncset.done $0x0  }
0x1cd: {  	[sflag:s4] =	ssyncadd.s32 $0xFFFFF800  }
0x1ce: {  	[tilespmem:s7], [sflag:$0x1] =	stream.indirect.gather [hbm4b:s6+s10], $0x10, s19, s10, $0xb8;
	[tilespmem:$0x19C8] =	vst v63  }
0x1cf: {  	_ =	swait.ge [sflag:s8], $0x800  }
0x1d0: {  	[sflag:s8] =	ssyncset.done $0x0  }
0x1d1: {  	s21 =	rddreg [dreg:$0xe];
	[sflag:s8] =	ssyncadd.s32 $0xFFFFF800  }
0x1d2: {  	[hbm4b:s21+s2] =	stream.linear.scatter [tilespmem:s3], [sflag:$0x4], $0x800, $0x38;
	[tilespmem:$0x19C8] =	vst v63  }
0x1d3: {  	_ =	swait.ge [sflag:s5], $0x800  }
0x1d4: {  	[sflag:s5] =	ssyncset.done $0x0  }
0x1d5: {  	[sflag:s5] =	ssyncadd.s32 $0xFFFFF800  }
0x1d6: {  	[tilespmem:s3], [sflag:$0x2] =	stream.indirect.gather [hbm4b:s6+s10], $0x10, s18, s10, $0xb8;
	[tilespmem:$0x19C8] =	vst v63  }
0x1d7: {  	_ =	swait.ge [sflag:s9], $0x800  }
0x1d8: {  	[sflag:s9] =	ssyncset.done $0x0  }
0x1d9: {  	s22 =	rddreg [dreg:$0xf];
	[sflag:s9] =	ssyncadd.s32 $0xFFFFF800  }
0x1da: {  	[hbm4b:s22+s2] =	stream.linear.scatter [tilespmem:s7], [sflag:$0x3], $0x800, $0x38;
	[tilespmem:$0x19C8] =	vst v63  }
0x1db: {  	_ =	swait.ge [sflag:s4], $0x800  }
0x1dc: {  	[sflag:s4] =	ssyncset.done $0x0  }
0x1dd: {  	[sflag:s4] =	ssyncadd.s32 $0xFFFFF800  }
0x1de: {  	[tilespmem:s7], [sflag:$0x1] =	stream.indirect.gather [hbm4b:s6+s10], $0x10, s17, s10, $0xb8;
	[tilespmem:$0x19C8] =	vst v63  }
0x1df: {  	_ =	swait.ge [sflag:s8], $0x800  }
0x1e0: {  	[sflag:s8] =	ssyncset.done $0x0  }
0x1e1: {  	s23 =	rddreg [dreg:$0x10];
	[sflag:s8] =	ssyncadd.s32 $0xFFFFF800  }
0x1e2: {  	[hbm4b:s23+s2] =	stream.linear.scatter [tilespmem:s3], [sflag:$0x4], $0x800, $0x38;
	[tilespmem:$0x19C8] =	vst v63  }
0x1e3: {  	_ =	swait.ge [sflag:s5], $0x800  }
0x1e4: {  	[sflag:s5] =	ssyncset.done $0x0  }
0x1e5: {  	[sflag:s5] =	ssyncadd.s32 $0xFFFFF800  }
0x1e6: {  	[tilespmem:s3], [sflag:$0x2] =	stream.indirect.gather [hbm4b:s6+s10], $0x10, s16, s10, $0xb8;
	[tilespmem:$0x19C8] =	vst v63  }
0x1e7: {  	_ =	swait.ge [sflag:s9], $0x800  }
0x1e8: {  	[sflag:s9] =	ssyncset.done $0x0  }
0x1e9: {  	s24 =	rddreg [dreg:$0x11];
	[sflag:s9] =	ssyncadd.s32 $0xFFFFF800  }
0x1ea: {  	[hbm4b:s24+s2] =	stream.linear.scatter [tilespmem:s7], [sflag:$0x3], $0x800, $0x38;
	[tilespmem:$0x19C8] =	vst v63  }
0x1eb: {  	_ =	swait.ge [sflag:s4], $0x800  }
0x1ec: {  	[sflag:s4] =	ssyncset.done $0x0  }
0x1ed: {  	[sflag:s4] =	ssyncadd.s32 $0xFFFFF800  }
0x1ee: {  	[tilespmem:s7], [sflag:$0x1] =	stream.indirect.gather [hbm4b:s6+s10], $0x10, s15, s10, $0xb8;
	[tilespmem:$0x19C8] =	vst v63  }
0x1ef: {  	_ =	swait.ge [sflag:s8], $0x800  }
0x1f0: {  	[sflag:s8] =	ssyncset.done $0x0  }
0x1f1: {  	s25 =	rddreg [dreg:$0x12];
	[sflag:s8] =	ssyncadd.s32 $0xFFFFF800  }
0x1f2: {  	[hbm4b:s25+s2] =	stream.linear.scatter [tilespmem:s3], [sflag:$0x4], $0x800, $0x38;
	[tilespmem:$0x19C8] =	vst v63  }
0x1f3: {  	_ =	swait.ge [sflag:s5], $0x800  }
0x1f4: {  	[sflag:s5] =	ssyncset.done $0x0  }
0x1f5: {  	[sflag:s5] =	ssyncadd.s32 $0xFFFFF800  }
0x1f6: {  	[tilespmem:s3], [sflag:$0x2] =	stream.indirect.gather [hbm4b:s6+s10], $0x10, s14, s10, $0xb8;
	[tilespmem:$0x19C8] =	vst v63  }
0x1f7: {  	_ =	swait.ge [sflag:s9], $0x800  }
0x1f8: {  	[sflag:s9] =	ssyncset.done $0x0  }
0x1f9: {  	s26 =	rddreg [dreg:$0x13];
	[sflag:s9] =	ssyncadd.s32 $0xFFFFF800  }
0x1fa: {  	[hbm4b:s26+s2] =	stream.linear.scatter [tilespmem:s7], [sflag:$0x3], $0x800, $0x38;
	[tilespmem:$0x19C8] =	vst v63  }
0x1fb: {  	_ =	swait.ge [sflag:s4], $0x800  }
0x1fc: {  	[sflag:s4] =	ssyncset.done $0x0  }
0x1fd: {  	[sflag:s4] =	ssyncadd.s32 $0xFFFFF800  }
0x1fe: {  	[tilespmem:s7], [sflag:$0x1] =	stream.indirect.gather [hbm4b:s6+s10], $0x10, s13, s10, $0xb8;
	[tilespmem:$0x19C8] =	vst v63  }
0x1ff: {  	_ =	swait.ge [sflag:s8], $0x800  }
0x200: {  	[sflag:s8] =	ssyncset.done $0x0  }
0x201: {  	s28 =	rddreg [dreg:$0x14];
	[sflag:s8] =	ssyncadd.s32 $0xFFFFF800  }
0x202: {  	[hbm4b:s28+s2] =	stream.linear.scatter [tilespmem:s3], [sflag:$0x4], $0x800, $0x38;
	[tilespmem:$0x19C8] =	vst v63  }
0x203: {  	_ =	swait.ge [sflag:s5], $0x800  }
0x204: {  	[sflag:s5] =	ssyncset.done $0x0  }
0x205: {  	[sflag:s5] =	ssyncadd.s32 $0xFFFFF800  }
0x206: {  	[tilespmem:s3], [sflag:$0x2] =	stream.indirect.gather [hbm4b:s6+s11], $0x10, s12, s11, $0xb8;
	[tilespmem:$0x19C8] =	vst v63  }
0x207: {  	_ =	swait.ge [sflag:s9], $0x800  }
0x208: {  	[sflag:s9] =	ssyncset.done $0x0  }
0x209: {  	s29 =	rddreg [dreg:$0x15];
	[sflag:s9] =	ssyncadd.s32 $0xFFFFF800  }
0x20a: {  	[hbm4b:s29+s2] =	stream.linear.scatter [tilespmem:s7], [sflag:$0x3], $0x800, $0x38;
	[tilespmem:$0x19C8] =	vst v63  }
0x20b: {  	_ =	swait.ge [sflag:s8], $0x480  }
0x20c: {  	[sflag:s8] =	ssyncset.done $0x0  }
0x20d: {  	s30 =	rddreg [dreg:$0x16];
	[sflag:s8] =	ssyncadd.s32 $0xFFFFFB80  }
0x20e: {  	[hbm4b:s30+s2] =	stream.linear.scatter [tilespmem:s3], [sflag:$0x4], $0x480, $0x38;
	[tilespmem:$0x19C8] =	vst v63  }
0x20f: {  	_ =	swait.ge [sflag:s4], $0x800  }
0x210: {  	[sflag:s4] =	ssyncset.done $0x0  }
0x211: {  	[sflag:s4] =	ssyncadd.s32 $0xFFFFF800  }
0x212: {  	_ =	swait.ge [sflag:s5], $0x480  }
0x213: {  	[sflag:s5] =	ssyncset.done $0x0  }
0x214: {  	[sflag:s5] =	ssyncadd.s32 $0xFFFFFB80  }
0x215: {  	_ =	sfence.sel $0x180000  }
0x216: {  	[bflag:$0x0] =	sbarrier.arrive $0xFFFF  }
0x217: {  	_ =	strace $0x90000047  }
0x218: {  	s31 =	stileid.u32;
	[bflag:$0x2] =	sbarrier.arrive $0xFFFF  }
0x219: {  	p0 =	sne.s32 s31, $0x0;
	s0 =	rddreg [dreg:$0x2]  }
0x21a: {  	s0 =	sadd.s32 @!p0 $0x100000, s0  }
0x21b: {  	[sflag:s0] =	ssyncadd.tile.s32 @!p0 $0x1;
	_ =	shalt  }
.Lfunc_end2:
_tile_overlayer_lowered:
.L_overlay_start_2:
0x21c: {  	(tag) =	ssettag $0x2  }
0x21d: {  	s0 =	rddreg [dreg:$0x0];
	s2 =	stileid.u32  }
0x21e: {  	s1 =	rddreg [dreg:$0x1];
	p0 =	sne.s32 s2, $0x0  }
0x21f: {  	s3 =	rddreg [dreg:$0x2];
	[bflag:$0x3] =	sbarrier.arrive $0xFFFF;
	s2 =	simm.s32 @!p0 $0x1C05  }
0x220: {  	[timem:s3], [sflag:s2] =	dma.local @!p0 [hbm:s0], s1  }
0x221: {  	s0 =	simm.s32 @!p0 $0x5  }
0x222: {  	_ =	swait.ge @!p0 [sflag:s0], s1  }
0x223: {  	s1 =	ssub.s32 @!p0 $0x0, s1;
	[sflag:s0] =	ssyncset.done @!p0 $0x0  }
0x224: {  	[sflag:s0] =	ssyncadd.s32 @!p0 s1  }
0x225: {  	[bflag:$0x3] =	sbarrier.arrive $0xFFFF  }
0x226: {  	_ =	shalt  }

</sc_bundles>
